<compile_context>
chip_gen: v7x
topology: tpu7x:2x2x1
jax: 0.10.2.dev20260603
libtpu: 0.0.44.dev20260713+nightly
codegen_flags: <defaults>
</compile_context>

<pallas_src>
import functools

import jax
import jax.numpy as jnp
from jax import lax
from jax.experimental import pallas as pl
from jax.experimental.pallas import tpu as pltpu
from jax.experimental.pallas import tpu_sc as plsc

V = 100001
B = 16384
HB = B // 2
GRP = 16


@functools.lru_cache(maxsize=None)
def _make_kernel():
    info = plsc.get_sparse_core_info()
    nc, ns = info.num_cores, info.num_subcores
    mesh = plsc.VectorSubcoreMesh(core_axis_name="c", subcore_axis_name="s")

    @functools.partial(
        pl.kernel,
        mesh=mesh,
        out_type=jax.ShapeDtypeStruct((72, B), jnp.float32),
        scratch_types=[
            pltpu.VMEM((1, V), jnp.float32),
            pltpu.VMEM((1, HB), jnp.int32),
            pltpu.VMEM((1, HB), jnp.float32),
        ],
        compiler_params=pltpu.CompilerParams(
            use_tc_tiling_on_sc=True, needs_layout_passes=False
        ),
    )
    def plane_gather(e0t, e1t, e2t, gidxt, out, plane_v, idx_v, res_v):
        wid = lax.axis_index("s") * nc + lax.axis_index("c")

        def do_plane(tbl, j, dd, orow):
            pltpu.sync_copy(tbl.at[pl.ds(dd, 1)], plane_v)
            zero16 = jnp.zeros((GRP,), jnp.int32)
            for h in range(2):
                pltpu.sync_copy(gidxt.at[pl.ds(j, 1), pl.ds(h * HB, HB)], idx_v)

                @plsc.parallel_loop(0, HB, step=GRP, unroll=8)
                def body(o):
                    idx16 = idx_v[0, pl.ds(o, GRP)]
                    res_v[0, pl.ds(o, GRP)] = plsc.load_gather(
                        plane_v, [zero16, idx16]
                    )

                pltpu.sync_copy(res_v, out.at[pl.ds(orow, 1), pl.ds(h * HB, HB)])

        @pl.when(wid < 16)
        def _():
            do_plane(e0t, 0, wid, wid)

        @pl.when(wid >= 16)
        def _():
            do_plane(e1t, 1, wid - 16, wid)

        @pl.when(wid < 8)
        def _():
            do_plane(e1t, 1, wid + 16, wid + 32)

        @pl.when(wid >= 8)
        def _():
            do_plane(e2t, 2, wid - 8, wid + 32)

        @pl.when(wid < 8)
        def _():
            do_plane(e2t, 2, wid + 24, wid + 64)

    def run(grid_idx, e0, e1, e2):
        gidxt = grid_idx.astype(jnp.int32).T
        out_t = plane_gather(e0.T, e1.T, e2.T, gidxt)
        return out_t.T

    return run


def kernel(grid_idx, E0, E1, E2):
    return _make_kernel()(grid_idx, E0, E1, E2)

# --- scband reference (transcript-rebuilt; emitter-appended) ---
"""Pipeline reference for scband-grid-branch-22909355557260 (READ-ONLY COPY).

The authoritative reference and input builder live on the scoring server;
editing this copy changes nothing except your own understanding.
"""

import jax, jax.numpy as jnp
import numpy as np

VOCABS = [100000, 100000, 100000]
EMB_DIMS = [16, 24, 32]
PAD_IDX = 0
BATCH = 16384


def setup_inputs(seed: int = 0) -> dict:
    key = jax.random.key(seed)
    k_idx, k0, k1, k2 = jax.random.split(key, 4)
    grid_idx = jax.random.randint(k_idx, (BATCH, len(VOCABS)), 0, 100000, dtype=jnp.int64 if jax.config.jax_enable_x64 else jnp.int32)
    tables = []
    for k, (vsz, d) in zip([k0, k1, k2], zip(VOCABS, EMB_DIMS)):
        t = jax.random.normal(k, (vsz + 1, d), dtype=jnp.float32) * 0.02
        t = t.at[PAD_IDX].set(0.0)  # padding_idx row is zero, as nn.Embedding initializes it
        tables.append(t)
    return {"grid_idx": grid_idx, "E0": tables[0], "E1": tables[1], "E2": tables[2]}


def reference(grid_idx, E0, E1, E2):
    # GridBranch.forward: per-column embedding lookup, concat, dropout (eval/identity)
    e0 = jnp.take(E0, grid_idx[:, 0], axis=0)
    e1 = jnp.take(E1, grid_idx[:, 1], axis=0)
    e2 = jnp.take(E2, grid_idx[:, 2], axis=0)
    out = jnp.concatenate([e0, e1, e2], axis=1)
    return out

if __name__ == "__main__":
    import jax
    _d = setup_inputs()
    print(jax.jit(kernel)(*tuple(_d.values())))

</pallas_src>

<mosaic_0001>
#map = affine_map<(d0, d1) -> (0, 0)>
module attributes {stable_mosaic.version = 14 : i64} {
  func.func @plane_gather(%arg0: i32, %arg1: i32, %arg2: memref<16x100001xf32, #tpu.memory_space<hbm>>, %arg3: memref<24x100001xf32, #tpu.memory_space<hbm>>, %arg4: memref<32x100001xf32, #tpu.memory_space<hbm>>, %arg5: memref<3x16384xi32, #tpu.memory_space<hbm>>, %arg6: memref<72x16384xf32, #tpu.memory_space<hbm>>, %arg7: memref<1x100001xf32, #tpu.memory_space<vmem>>, %arg8: memref<1x8192xi32, #tpu.memory_space<vmem>>, %arg9: memref<1x8192xf32, #tpu.memory_space<vmem>>) attributes {dimension_semantics = [#tpu.dimension_semantics<core_parallel>, #tpu.dimension_semantics<subcore_parallel>], iteration_bounds = array<i64: 2, 16>, scalar_prefetch = 0 : i64, scratch_operands = 3 : i64, tpu.core_type = #tpu.core_type<sc_vector_subcore>, window_params = [{transform_indices = #map}, {transform_indices = #map}, {transform_indices = #map}, {transform_indices = #map}, {transform_indices = #map}]} {
    %mul3A = arith.constant 2 : i32
    %mul3A_0 = arith.muli %arg1, %mul3A : i32
    %add3A = arith.addi %mul3A_0, %arg0 : i32
    %lt3A = arith.constant 16 : i32
    %lt3A_1 = arith.cmpi slt, %add3A, %lt3A : i32
    %convert_element_type3A = arith.extui %lt3A_1 : i1 to i32
    %cond3A = arith.constant 0 : i32
    %cond3A_2 = arith.cmpi ne, %convert_element_type3A, %cond3A : i32
    scf.if %cond3A_2 {
      "tpu.region"() ({
        %run_scoped3A = tpu.sem_alloc : memref<!tpu.dma_semaphore, #tpu.memory_space<semaphore_mem>>
        %dma_start3A = arith.constant 0 : i32
        %dma_start3A_28 = tpu.memref_slice %arg2[%add3A, %dma_start3A] : memref<16x100001xf32, #tpu.memory_space<hbm>> -> memref<1x100001xf32, #tpu.memory_space<hbm>>
        %dma_start3A_29 = arith.constant 0 : i32
        %dma_start3A_30 = tpu.memref_slice %arg2[%add3A, %dma_start3A_29] : memref<16x100001xf32, #tpu.memory_space<hbm>> -> memref<1x100001xf32, #tpu.memory_space<hbm>>
        tpu.enqueue_dma source(%dma_start3A_30 : memref<1x100001xf32, #tpu.memory_space<hbm>>) target(%arg7 : memref<1x100001xf32, #tpu.memory_space<vmem>>) target_semaphore(%run_scoped3A : memref<!tpu.dma_semaphore, #tpu.memory_space<semaphore_mem>>)
        %dma_wait3A = arith.constant 0 : i32
        %dma_wait3A_31 = tpu.memref_slice %arg2[%add3A, %dma_wait3A] : memref<16x100001xf32, #tpu.memory_space<hbm>> -> memref<1x100001xf32, #tpu.memory_space<hbm>>
        %dma_wait3A_32 = arith.constant 0 : i32
        %dma_wait3A_33 = tpu.memref_slice %arg2[%add3A, %dma_wait3A_32] : memref<16x100001xf32, #tpu.memory_space<hbm>> -> memref<1x100001xf32, #tpu.memory_space<hbm>>
        tpu.wait_dma2 semaphore(%run_scoped3A : memref<!tpu.dma_semaphore, #tpu.memory_space<semaphore_mem>>) src(%dma_wait3A_33 : memref<1x100001xf32, #tpu.memory_space<hbm>>) dst(%arg7 : memref<1x100001xf32, #tpu.memory_space<vmem>>)
        tpu.yield
      }) : () -> ()
      %broadcast_in_dim3A = arith.constant 0 : i32
      %broadcast_in_dim3A_22 = vector.broadcast %broadcast_in_dim3A : i32 to vector<16xi32>
      "tpu.region"() ({
        %run_scoped3A = tpu.sem_alloc : memref<!tpu.dma_semaphore, #tpu.memory_space<semaphore_mem>>
        %dma_start3A = arith.constant 0 : i32
        %dma_start3A_28 = arith.constant 0 : i32
        %dma_start3A_29 = tpu.memref_slice %arg5[%dma_start3A, %dma_start3A_28] : memref<3x16384xi32, #tpu.memory_space<hbm>> -> memref<1x8192xi32, #tpu.memory_space<hbm>>
        %dma_start3A_30 = arith.constant 0 : i32
        %dma_start3A_31 = arith.constant 0 : i32
        %dma_start3A_32 = tpu.memref_slice %arg5[%dma_start3A_30, %dma_start3A_31] : memref<3x16384xi32, #tpu.memory_space<hbm>> -> memref<1x8192xi32, #tpu.memory_space<hbm>>
        tpu.enqueue_dma source(%dma_start3A_32 : memref<1x8192xi32, #tpu.memory_space<hbm>>) target(%arg8 : memref<1x8192xi32, #tpu.memory_space<vmem>>) target_semaphore(%run_scoped3A : memref<!tpu.dma_semaphore, #tpu.memory_space<semaphore_mem>>)
        %dma_wait3A = arith.constant 0 : i32
        %dma_wait3A_33 = arith.constant 0 : i32
        %dma_wait3A_34 = tpu.memref_slice %arg5[%dma_wait3A, %dma_wait3A_33] : memref<3x16384xi32, #tpu.memory_space<hbm>> -> memref<1x8192xi32, #tpu.memory_space<hbm>>
        %dma_wait3A_35 = arith.constant 0 : i32
        %dma_wait3A_36 = arith.constant 0 : i32
        %dma_wait3A_37 = tpu.memref_slice %arg5[%dma_wait3A_35, %dma_wait3A_36] : memref<3x16384xi32, #tpu.memory_space<hbm>> -> memref<1x8192xi32, #tpu.memory_space<hbm>>
        tpu.wait_dma2 semaphore(%run_scoped3A : memref<!tpu.dma_semaphore, #tpu.memory_space<semaphore_mem>>) src(%dma_wait3A_37 : memref<1x8192xi32, #tpu.memory_space<hbm>>) dst(%arg8 : memref<1x8192xi32, #tpu.memory_space<vmem>>)
        tpu.yield
      }) : () -> ()
      %parallel_loop3A = arith.constant 0 : i32
      %parallel_loop3A_23 = arith.constant 8192 : i32
      %parallel_loop3A_24 = arith.constant 16 : i32
      scf.for %parallel_loop3A_28 = %parallel_loop3A to %parallel_loop3A_23 step %parallel_loop3A_24  : i32 {
        %parallel_loop3A_29 = arith.constant 0 : i32
        %parallel_loop3A_30 = arith.index_cast %parallel_loop3A_29 : i32 to index
        %parallel_loop3A_31 = arith.index_cast %parallel_loop3A_28 : i32 to index
        %parallel_loop3A_32 = tpu.vector_load %arg8[%parallel_loop3A_30, %parallel_loop3A_31] {strides = array<i32>} : memref<1x8192xi32, #tpu.memory_space<vmem>>, vector<16xi32>,
        %parallel_loop3A_33 = tpu.vector_load_idx %arg7[%broadcast_in_dim3A_22, %parallel_loop3A_32] : memref<1x100001xf32, #tpu.memory_space<vmem>>[vector<16xi32>, vector<16xi32>], vector<16xf32>,
        %parallel_loop3A_34 = arith.constant 0 : i32
        %parallel_loop3A_35 = arith.index_cast %parallel_loop3A_34 : i32 to index
        %parallel_loop3A_36 = arith.index_cast %parallel_loop3A_28 : i32 to index
        %parallel_loop3A_37 = tpu.vector_load %arg9[%parallel_loop3A_35, %parallel_loop3A_36] {strides = array<i32>} : memref<1x8192xf32, #tpu.memory_space<vmem>>, vector<16xf32>,
        tpu.vector_store %arg9[%parallel_loop3A_35, %parallel_loop3A_36], %parallel_loop3A_33 {strides = array<i32>} : memref<1x8192xf32, #tpu.memory_space<vmem>>, vector<16xf32>,
      } {sc.loop_unroll_factor = 8 : i64, sc.parallel_access}
      "tpu.region"() ({
        %run_scoped3A = tpu.sem_alloc : memref<!tpu.dma_semaphore, #tpu.memory_space<semaphore_mem>>
        %dma_start3A = arith.constant 0 : i32
        %dma_start3A_28 = tpu.memref_slice %arg6[%add3A, %dma_start3A] : memref<72x16384xf32, #tpu.memory_space<hbm>> -> memref<1x8192xf32, #tpu.memory_space<hbm>>
        %dma_start3A_29 = arith.constant 0 : i32
        %dma_start3A_30 = tpu.memref_slice %arg6[%add3A, %dma_start3A_29] : memref<72x16384xf32, #tpu.memory_space<hbm>> -> memref<1x8192xf32, #tpu.memory_space<hbm>>
        tpu.enqueue_dma source(%arg9 : memref<1x8192xf32, #tpu.memory_space<vmem>>) target(%dma_start3A_30 : memref<1x8192xf32, #tpu.memory_space<hbm>>) target_semaphore(%run_scoped3A : memref<!tpu.dma_semaphore, #tpu.memory_space<semaphore_mem>>)
        %dma_wait3A = arith.constant 0 : i32
        %dma_wait3A_31 = tpu.memref_slice %arg6[%add3A, %dma_wait3A] : memref<72x16384xf32, #tpu.memory_space<hbm>> -> memref<1x8192xf32, #tpu.memory_space<hbm>>
        %dma_wait3A_32 = arith.constant 0 : i32
        %dma_wait3A_33 = tpu.memref_slice %arg6[%add3A, %dma_wait3A_32] : memref<72x16384xf32, #tpu.memory_space<hbm>> -> memref<1x8192xf32, #tpu.memory_space<hbm>>
        tpu.wait_dma2 semaphore(%run_scoped3A : memref<!tpu.dma_semaphore, #tpu.memory_space<semaphore_mem>>) src(%arg9 : memref<1x8192xf32, #tpu.memory_space<vmem>>) dst(%dma_wait3A_33 : memref<1x8192xf32, #tpu.memory_space<hbm>>)
        tpu.yield
      }) : () -> ()
      "tpu.region"() ({
        %run_scoped3A = tpu.sem_alloc : memref<!tpu.dma_semaphore, #tpu.memory_space<semaphore_mem>>
        %dma_start3A = arith.constant 0 : i32
        %dma_start3A_28 = arith.constant 8192 : i32
        %dma_start3A_29 = tpu.memref_slice %arg5[%dma_start3A, %dma_start3A_28] : memref<3x16384xi32, #tpu.memory_space<hbm>> -> memref<1x8192xi32, #tpu.memory_space<hbm>>
        %dma_start3A_30 = arith.constant 0 : i32
        %dma_start3A_31 = arith.constant 8192 : i32
        %dma_start3A_32 = tpu.memref_slice %arg5[%dma_start3A_30, %dma_start3A_31] : memref<3x16384xi32, #tpu.memory_space<hbm>> -> memref<1x8192xi32, #tpu.memory_space<hbm>>
        tpu.enqueue_dma source(%dma_start3A_32 : memref<1x8192xi32, #tpu.memory_space<hbm>>) target(%arg8 : memref<1x8192xi32, #tpu.memory_space<vmem>>) target_semaphore(%run_scoped3A : memref<!tpu.dma_semaphore, #tpu.memory_space<semaphore_mem>>)
        %dma_wait3A = arith.constant 0 : i32
        %dma_wait3A_33 = arith.constant 8192 : i32
        %dma_wait3A_34 = tpu.memref_slice %arg5[%dma_wait3A, %dma_wait3A_33] : memref<3x16384xi32, #tpu.memory_space<hbm>> -> memref<1x8192xi32, #tpu.memory_space<hbm>>
        %dma_wait3A_35 = arith.constant 0 : i32
        %dma_wait3A_36 = arith.constant 8192 : i32
        %dma_wait3A_37 = tpu.memref_slice %arg5[%dma_wait3A_35, %dma_wait3A_36] : memref<3x16384xi32, #tpu.memory_space<hbm>> -> memref<1x8192xi32, #tpu.memory_space<hbm>>
        tpu.wait_dma2 semaphore(%run_scoped3A : memref<!tpu.dma_semaphore, #tpu.memory_space<semaphore_mem>>) src(%dma_wait3A_37 : memref<1x8192xi32, #tpu.memory_space<hbm>>) dst(%arg8 : memref<1x8192xi32, #tpu.memory_space<vmem>>)
        tpu.yield
      }) : () -> ()
      %parallel_loop3A_25 = arith.constant 0 : i32
      %parallel_loop3A_26 = arith.constant 8192 : i32
      %parallel_loop3A_27 = arith.constant 16 : i32
      scf.for %parallel_loop3A_28 = %parallel_loop3A_25 to %parallel_loop3A_26 step %parallel_loop3A_27  : i32 {
        %parallel_loop3A_29 = arith.constant 0 : i32
        %parallel_loop3A_30 = arith.index_cast %parallel_loop3A_29 : i32 to index
        %parallel_loop3A_31 = arith.index_cast %parallel_loop3A_28 : i32 to index
        %parallel_loop3A_32 = tpu.vector_load %arg8[%parallel_loop3A_30, %parallel_loop3A_31] {strides = array<i32>} : memref<1x8192xi32, #tpu.memory_space<vmem>>, vector<16xi32>,
        %parallel_loop3A_33 = tpu.vector_load_idx %arg7[%broadcast_in_dim3A_22, %parallel_loop3A_32] : memref<1x100001xf32, #tpu.memory_space<vmem>>[vector<16xi32>, vector<16xi32>], vector<16xf32>,
        %parallel_loop3A_34 = arith.constant 0 : i32
        %parallel_loop3A_35 = arith.index_cast %parallel_loop3A_34 : i32 to index
        %parallel_loop3A_36 = arith.index_cast %parallel_loop3A_28 : i32 to index
        %parallel_loop3A_37 = tpu.vector_load %arg9[%parallel_loop3A_35, %parallel_loop3A_36] {strides = array<i32>} : memref<1x8192xf32, #tpu.memory_space<vmem>>, vector<16xf32>,
        tpu.vector_store %arg9[%parallel_loop3A_35, %parallel_loop3A_36], %parallel_loop3A_33 {strides = array<i32>} : memref<1x8192xf32, #tpu.memory_space<vmem>>, vector<16xf32>,
      } {sc.loop_unroll_factor = 8 : i64, sc.parallel_access}
      "tpu.region"() ({
        %run_scoped3A = tpu.sem_alloc : memref<!tpu.dma_semaphore, #tpu.memory_space<semaphore_mem>>
        %dma_start3A = arith.constant 8192 : i32
        %dma_start3A_28 = tpu.memref_slice %arg6[%add3A, %dma_start3A] : memref<72x16384xf32, #tpu.memory_space<hbm>> -> memref<1x8192xf32, #tpu.memory_space<hbm>>
        %dma_start3A_29 = arith.constant 8192 : i32
        %dma_start3A_30 = tpu.memref_slice %arg6[%add3A, %dma_start3A_29] : memref<72x16384xf32, #tpu.memory_space<hbm>> -> memref<1x8192xf32, #tpu.memory_space<hbm>>
        tpu.enqueue_dma source(%arg9 : memref<1x8192xf32, #tpu.memory_space<vmem>>) target(%dma_start3A_30 : memref<1x8192xf32, #tpu.memory_space<hbm>>) target_semaphore(%run_scoped3A : memref<!tpu.dma_semaphore, #tpu.memory_space<semaphore_mem>>)
        %dma_wait3A = arith.constant 8192 : i32
        %dma_wait3A_31 = tpu.memref_slice %arg6[%add3A, %dma_wait3A] : memref<72x16384xf32, #tpu.memory_space<hbm>> -> memref<1x8192xf32, #tpu.memory_space<hbm>>
        %dma_wait3A_32 = arith.constant 8192 : i32
        %dma_wait3A_33 = tpu.memref_slice %arg6[%add3A, %dma_wait3A_32] : memref<72x16384xf32, #tpu.memory_space<hbm>> -> memref<1x8192xf32, #tpu.memory_space<hbm>>
        tpu.wait_dma2 semaphore(%run_scoped3A : memref<!tpu.dma_semaphore, #tpu.memory_space<semaphore_mem>>) src(%arg9 : memref<1x8192xf32, #tpu.memory_space<vmem>>) dst(%dma_wait3A_33 : memref<1x8192xf32, #tpu.memory_space<hbm>>)
        tpu.yield
      }) : () -> ()
    } else {
    }
    %ge3A = arith.constant 16 : i32
    %ge3A_3 = arith.cmpi sge, %add3A, %ge3A : i32
    %convert_element_type3A_4 = arith.extui %ge3A_3 : i1 to i32
    %cond3A_5 = arith.constant 0 : i32
    %cond3A_6 = arith.cmpi ne, %convert_element_type3A_4, %cond3A_5 : i32
    scf.if %cond3A_6 {
      %sub3A = arith.constant 16 : i32
      %sub3A_22 = arith.subi %add3A, %sub3A : i32
      "tpu.region"() ({
        %run_scoped3A = tpu.sem_alloc : memref<!tpu.dma_semaphore, #tpu.memory_space<semaphore_mem>>
        %dma_start3A = arith.constant 0 : i32
        %dma_start3A_29 = tpu.memref_slice %arg3[%sub3A_22, %dma_start3A] : memref<24x100001xf32, #tpu.memory_space<hbm>> -> memref<1x100001xf32, #tpu.memory_space<hbm>>
        %dma_start3A_30 = arith.constant 0 : i32
        %dma_start3A_31 = tpu.memref_slice %arg3[%sub3A_22, %dma_start3A_30] : memref<24x100001xf32, #tpu.memory_space<hbm>> -> memref<1x100001xf32, #tpu.memory_space<hbm>>
        tpu.enqueue_dma source(%dma_start3A_31 : memref<1x100001xf32, #tpu.memory_space<hbm>>) target(%arg7 : memref<1x100001xf32, #tpu.memory_space<vmem>>) target_semaphore(%run_scoped3A : memref<!tpu.dma_semaphore, #tpu.memory_space<semaphore_mem>>)
        %dma_wait3A = arith.constant 0 : i32
        %dma_wait3A_32 = tpu.memref_slice %arg3[%sub3A_22, %dma_wait3A] : memref<24x100001xf32, #tpu.memory_space<hbm>> -> memref<1x100001xf32, #tpu.memory_space<hbm>>
        %dma_wait3A_33 = arith.constant 0 : i32
        %dma_wait3A_34 = tpu.memref_slice %arg3[%sub3A_22, %dma_wait3A_33] : memref<24x100001xf32, #tpu.memory_space<hbm>> -> memref<1x100001xf32, #tpu.memory_space<hbm>>
        tpu.wait_dma2 semaphore(%run_scoped3A : memref<!tpu.dma_semaphore, #tpu.memory_space<semaphore_mem>>) src(%dma_wait3A_34 : memref<1x100001xf32, #tpu.memory_space<hbm>>) dst(%arg7 : memref<1x100001xf32, #tpu.memory_space<vmem>>)
        tpu.yield
      }) : () -> ()
      %broadcast_in_dim3A = arith.constant 0 : i32
      %broadcast_in_dim3A_23 = vector.broadcast %broadcast_in_dim3A : i32 to vector<16xi32>
      "tpu.region"() ({
        %run_scoped3A = tpu.sem_alloc : memref<!tpu.dma_semaphore, #tpu.memory_space<semaphore_mem>>
        %dma_start3A = arith.constant 1 : i32
        %dma_start3A_29 = arith.constant 0 : i32
        %dma_start3A_30 = tpu.memref_slice %arg5[%dma_start3A, %dma_start3A_29] : memref<3x16384xi32, #tpu.memory_space<hbm>> -> memref<1x8192xi32, #tpu.memory_space<hbm>>
        %dma_start3A_31 = arith.constant 1 : i32
        %dma_start3A_32 = arith.constant 0 : i32
        %dma_start3A_33 = tpu.memref_slice %arg5[%dma_start3A_31, %dma_start3A_32] : memref<3x16384xi32, #tpu.memory_space<hbm>> -> memref<1x8192xi32, #tpu.memory_space<hbm>>
        tpu.enqueue_dma source(%dma_start3A_33 : memref<1x8192xi32, #tpu.memory_space<hbm>>) target(%arg8 : memref<1x8192xi32, #tpu.memory_space<vmem>>) target_semaphore(%run_scoped3A : memref<!tpu.dma_semaphore, #tpu.memory_space<semaphore_mem>>)
        %dma_wait3A = arith.constant 1 : i32
        %dma_wait3A_34 = arith.constant 0 : i32
        %dma_wait3A_35 = tpu.memref_slice %arg5[%dma_wait3A, %dma_wait3A_34] : memref<3x16384xi32, #tpu.memory_space<hbm>> -> memref<1x8192xi32, #tpu.memory_space<hbm>>
        %dma_wait3A_36 = arith.constant 1 : i32
        %dma_wait3A_37 = arith.constant 0 : i32
        %dma_wait3A_38 = tpu.memref_slice %arg5[%dma_wait3A_36, %dma_wait3A_37] : memref<3x16384xi32, #tpu.memory_space<hbm>> -> memref<1x8192xi32, #tpu.memory_space<hbm>>
        tpu.wait_dma2 semaphore(%run_scoped3A : memref<!tpu.dma_semaphore, #tpu.memory_space<semaphore_mem>>) src(%dma_wait3A_38 : memref<1x8192xi32, #tpu.memory_space<hbm>>) dst(%arg8 : memref<1x8192xi32, #tpu.memory_space<vmem>>)
        tpu.yield
      }) : () -> ()
      %parallel_loop3A = arith.constant 0 : i32
      %parallel_loop3A_24 = arith.constant 8192 : i32
      %parallel_loop3A_25 = arith.constant 16 : i32
      scf.for %parallel_loop3A_29 = %parallel_loop3A to %parallel_loop3A_24 step %parallel_loop3A_25  : i32 {
        %parallel_loop3A_30 = arith.constant 0 : i32
        %parallel_loop3A_31 = arith.index_cast %parallel_loop3A_30 : i32 to index
        %parallel_loop3A_32 = arith.index_cast %parallel_loop3A_29 : i32 to index
        %parallel_loop3A_33 = tpu.vector_load %arg8[%parallel_loop3A_31, %parallel_loop3A_32] {strides = array<i32>} : memref<1x8192xi32, #tpu.memory_space<vmem>>, vector<16xi32>,
        %parallel_loop3A_34 = tpu.vector_load_idx %arg7[%broadcast_in_dim3A_23, %parallel_loop3A_33] : memref<1x100001xf32, #tpu.memory_space<vmem>>[vector<16xi32>, vector<16xi32>], vector<16xf32>,
        %parallel_loop3A_35 = arith.constant 0 : i32
        %parallel_loop3A_36 = arith.index_cast %parallel_loop3A_35 : i32 to index
        %parallel_loop3A_37 = arith.index_cast %parallel_loop3A_29 : i32 to index
        %parallel_loop3A_38 = tpu.vector_load %arg9[%parallel_loop3A_36, %parallel_loop3A_37] {strides = array<i32>} : memref<1x8192xf32, #tpu.memory_space<vmem>>, vector<16xf32>,
        tpu.vector_store %arg9[%parallel_loop3A_36, %parallel_loop3A_37], %parallel_loop3A_34 {strides = array<i32>} : memref<1x8192xf32, #tpu.memory_space<vmem>>, vector<16xf32>,
      } {sc.loop_unroll_factor = 8 : i64, sc.parallel_access}
      "tpu.region"() ({
        %run_scoped3A = tpu.sem_alloc : memref<!tpu.dma_semaphore, #tpu.memory_space<semaphore_mem>>
        %dma_start3A = arith.constant 0 : i32
        %dma_start3A_29 = tpu.memref_slice %arg6[%add3A, %dma_start3A] : memref<72x16384xf32, #tpu.memory_space<hbm>> -> memref<1x8192xf32, #tpu.memory_space<hbm>>
        %dma_start3A_30 = arith.constant 0 : i32
        %dma_start3A_31 = tpu.memref_slice %arg6[%add3A, %dma_start3A_30] : memref<72x16384xf32, #tpu.memory_space<hbm>> -> memref<1x8192xf32, #tpu.memory_space<hbm>>
        tpu.enqueue_dma source(%arg9 : memref<1x8192xf32, #tpu.memory_space<vmem>>) target(%dma_start3A_31 : memref<1x8192xf32, #tpu.memory_space<hbm>>) target_semaphore(%run_scoped3A : memref<!tpu.dma_semaphore, #tpu.memory_space<semaphore_mem>>)
        %dma_wait3A = arith.constant 0 : i32
        %dma_wait3A_32 = tpu.memref_slice %arg6[%add3A, %dma_wait3A] : memref<72x16384xf32, #tpu.memory_space<hbm>> -> memref<1x8192xf32, #tpu.memory_space<hbm>>
        %dma_wait3A_33 = arith.constant 0 : i32
        %dma_wait3A_34 = tpu.memref_slice %arg6[%add3A, %dma_wait3A_33] : memref<72x16384xf32, #tpu.memory_space<hbm>> -> memref<1x8192xf32, #tpu.memory_space<hbm>>
        tpu.wait_dma2 semaphore(%run_scoped3A : memref<!tpu.dma_semaphore, #tpu.memory_space<semaphore_mem>>) src(%arg9 : memref<1x8192xf32, #tpu.memory_space<vmem>>) dst(%dma_wait3A_34 : memref<1x8192xf32, #tpu.memory_space<hbm>>)
        tpu.yield
      }) : () -> ()
      "tpu.region"() ({
        %run_scoped3A = tpu.sem_alloc : memref<!tpu.dma_semaphore, #tpu.memory_space<semaphore_mem>>
        %dma_start3A = arith.constant 1 : i32
        %dma_start3A_29 = arith.constant 8192 : i32
        %dma_start3A_30 = tpu.memref_slice %arg5[%dma_start3A, %dma_start3A_29] : memref<3x16384xi32, #tpu.memory_space<hbm>> -> memref<1x8192xi32, #tpu.memory_space<hbm>>
        %dma_start3A_31 = arith.constant 1 : i32
        %dma_start3A_32 = arith.constant 8192 : i32
        %dma_start3A_33 = tpu.memref_slice %arg5[%dma_start3A_31, %dma_start3A_32] : memref<3x16384xi32, #tpu.memory_space<hbm>> -> memref<1x8192xi32, #tpu.memory_space<hbm>>
        tpu.enqueue_dma source(%dma_start3A_33 : memref<1x8192xi32, #tpu.memory_space<hbm>>) target(%arg8 : memref<1x8192xi32, #tpu.memory_space<vmem>>) target_semaphore(%run_scoped3A : memref<!tpu.dma_semaphore, #tpu.memory_space<semaphore_mem>>)
        %dma_wait3A = arith.constant 1 : i32
        %dma_wait3A_34 = arith.constant 8192 : i32
        %dma_wait3A_35 = tpu.memref_slice %arg5[%dma_wait3A, %dma_wait3A_34] : memref<3x16384xi32, #tpu.memory_space<hbm>> -> memref<1x8192xi32, #tpu.memory_space<hbm>>
        %dma_wait3A_36 = arith.constant 1 : i32
        %dma_wait3A_37 = arith.constant 8192 : i32
        %dma_wait3A_38 = tpu.memref_slice %arg5[%dma_wait3A_36, %dma_wait3A_37] : memref<3x16384xi32, #tpu.memory_space<hbm>> -> memref<1x8192xi32, #tpu.memory_space<hbm>>
        tpu.wait_dma2 semaphore(%run_scoped3A : memref<!tpu.dma_semaphore, #tpu.memory_space<semaphore_mem>>) src(%dma_wait3A_38 : memref<1x8192xi32, #tpu.memory_space<hbm>>) dst(%arg8 : memref<1x8192xi32, #tpu.memory_space<vmem>>)
        tpu.yield
      }) : () -> ()
      %parallel_loop3A_26 = arith.constant 0 : i32
      %parallel_loop3A_27 = arith.constant 8192 : i32
      %parallel_loop3A_28 = arith.constant 16 : i32
      scf.for %parallel_loop3A_29 = %parallel_loop3A_26 to %parallel_loop3A_27 step %parallel_loop3A_28  : i32 {
        %parallel_loop3A_30 = arith.constant 0 : i32
        %parallel_loop3A_31 = arith.index_cast %parallel_loop3A_30 : i32 to index
        %parallel_loop3A_32 = arith.index_cast %parallel_loop3A_29 : i32 to index
        %parallel_loop3A_33 = tpu.vector_load %arg8[%parallel_loop3A_31, %parallel_loop3A_32] {strides = array<i32>} : memref<1x8192xi32, #tpu.memory_space<vmem>>, vector<16xi32>,
        %parallel_loop3A_34 = tpu.vector_load_idx %arg7[%broadcast_in_dim3A_23, %parallel_loop3A_33] : memref<1x100001xf32, #tpu.memory_space<vmem>>[vector<16xi32>, vector<16xi32>], vector<16xf32>,
        %parallel_loop3A_35 = arith.constant 0 : i32
        %parallel_loop3A_36 = arith.index_cast %parallel_loop3A_35 : i32 to index
        %parallel_loop3A_37 = arith.index_cast %parallel_loop3A_29 : i32 to index
        %parallel_loop3A_38 = tpu.vector_load %arg9[%parallel_loop3A_36, %parallel_loop3A_37] {strides = array<i32>} : memref<1x8192xf32, #tpu.memory_space<vmem>>, vector<16xf32>,
        tpu.vector_store %arg9[%parallel_loop3A_36, %parallel_loop3A_37], %parallel_loop3A_34 {strides = array<i32>} : memref<1x8192xf32, #tpu.memory_space<vmem>>, vector<16xf32>,
      } {sc.loop_unroll_factor = 8 : i64, sc.parallel_access}
      "tpu.region"() ({
        %run_scoped3A = tpu.sem_alloc : memref<!tpu.dma_semaphore, #tpu.memory_space<semaphore_mem>>
        %dma_start3A = arith.constant 8192 : i32
        %dma_start3A_29 = tpu.memref_slice %arg6[%add3A, %dma_start3A] : memref<72x16384xf32, #tpu.memory_space<hbm>> -> memref<1x8192xf32, #tpu.memory_space<hbm>>
        %dma_start3A_30 = arith.constant 8192 : i32
        %dma_start3A_31 = tpu.memref_slice %arg6[%add3A, %dma_start3A_30] : memref<72x16384xf32, #tpu.memory_space<hbm>> -> memref<1x8192xf32, #tpu.memory_space<hbm>>
        tpu.enqueue_dma source(%arg9 : memref<1x8192xf32, #tpu.memory_space<vmem>>) target(%dma_start3A_31 : memref<1x8192xf32, #tpu.memory_space<hbm>>) target_semaphore(%run_scoped3A : memref<!tpu.dma_semaphore, #tpu.memory_space<semaphore_mem>>)
        %dma_wait3A = arith.constant 8192 : i32
        %dma_wait3A_32 = tpu.memref_slice %arg6[%add3A, %dma_wait3A] : memref<72x16384xf32, #tpu.memory_space<hbm>> -> memref<1x8192xf32, #tpu.memory_space<hbm>>
        %dma_wait3A_33 = arith.constant 8192 : i32
        %dma_wait3A_34 = tpu.memref_slice %arg6[%add3A, %dma_wait3A_33] : memref<72x16384xf32, #tpu.memory_space<hbm>> -> memref<1x8192xf32, #tpu.memory_space<hbm>>
        tpu.wait_dma2 semaphore(%run_scoped3A : memref<!tpu.dma_semaphore, #tpu.memory_space<semaphore_mem>>) src(%arg9 : memref<1x8192xf32, #tpu.memory_space<vmem>>) dst(%dma_wait3A_34 : memref<1x8192xf32, #tpu.memory_space<hbm>>)
        tpu.yield
      }) : () -> ()
    } else {
    }
    %lt3A_7 = arith.constant 8 : i32
    %lt3A_8 = arith.cmpi slt, %add3A, %lt3A_7 : i32
    %convert_element_type3A_9 = arith.extui %lt3A_8 : i1 to i32
    %cond3A_10 = arith.constant 0 : i32
    %cond3A_11 = arith.cmpi ne, %convert_element_type3A_9, %cond3A_10 : i32
    scf.if %cond3A_11 {
      %add3A_22 = arith.constant 16 : i32
      %add3A_23 = arith.addi %add3A, %add3A_22 : i32
      %add3A_24 = arith.constant 32 : i32
      %add3A_25 = arith.addi %add3A, %add3A_24 : i32
      "tpu.region"() ({
        %run_scoped3A = tpu.sem_alloc : memref<!tpu.dma_semaphore, #tpu.memory_space<semaphore_mem>>
        %dma_start3A = arith.constant 0 : i32
        %dma_start3A_32 = tpu.memref_slice %arg3[%add3A_23, %dma_start3A] : memref<24x100001xf32, #tpu.memory_space<hbm>> -> memref<1x100001xf32, #tpu.memory_space<hbm>>
        %dma_start3A_33 = arith.constant 0 : i32
        %dma_start3A_34 = tpu.memref_slice %arg3[%add3A_23, %dma_start3A_33] : memref<24x100001xf32, #tpu.memory_space<hbm>> -> memref<1x100001xf32, #tpu.memory_space<hbm>>
        tpu.enqueue_dma source(%dma_start3A_34 : memref<1x100001xf32, #tpu.memory_space<hbm>>) target(%arg7 : memref<1x100001xf32, #tpu.memory_space<vmem>>) target_semaphore(%run_scoped3A : memref<!tpu.dma_semaphore, #tpu.memory_space<semaphore_mem>>)
        %dma_wait3A = arith.constant 0 : i32
        %dma_wait3A_35 = tpu.memref_slice %arg3[%add3A_23, %dma_wait3A] : memref<24x100001xf32, #tpu.memory_space<hbm>> -> memref<1x100001xf32, #tpu.memory_space<hbm>>
        %dma_wait3A_36 = arith.constant 0 : i32
        %dma_wait3A_37 = tpu.memref_slice %arg3[%add3A_23, %dma_wait3A_36] : memref<24x100001xf32, #tpu.memory_space<hbm>> -> memref<1x100001xf32, #tpu.memory_space<hbm>>
        tpu.wait_dma2 semaphore(%run_scoped3A : memref<!tpu.dma_semaphore, #tpu.memory_space<semaphore_mem>>) src(%dma_wait3A_37 : memref<1x100001xf32, #tpu.memory_space<hbm>>) dst(%arg7 : memref<1x100001xf32, #tpu.memory_space<vmem>>)
        tpu.yield
      }) : () -> ()
      %broadcast_in_dim3A = arith.constant 0 : i32
      %broadcast_in_dim3A_26 = vector.broadcast %broadcast_in_dim3A : i32 to vector<16xi32>
      "tpu.region"() ({
        %run_scoped3A = tpu.sem_alloc : memref<!tpu.dma_semaphore, #tpu.memory_space<semaphore_mem>>
        %dma_start3A = arith.constant 1 : i32
        %dma_start3A_32 = arith.constant 0 : i32
        %dma_start3A_33 = tpu.memref_slice %arg5[%dma_start3A, %dma_start3A_32] : memref<3x16384xi32, #tpu.memory_space<hbm>> -> memref<1x8192xi32, #tpu.memory_space<hbm>>
        %dma_start3A_34 = arith.constant 1 : i32
        %dma_start3A_35 = arith.constant 0 : i32
        %dma_start3A_36 = tpu.memref_slice %arg5[%dma_start3A_34, %dma_start3A_35] : memref<3x16384xi32, #tpu.memory_space<hbm>> -> memref<1x8192xi32, #tpu.memory_space<hbm>>
        tpu.enqueue_dma source(%dma_start3A_36 : memref<1x8192xi32, #tpu.memory_space<hbm>>) target(%arg8 : memref<1x8192xi32, #tpu.memory_space<vmem>>) target_semaphore(%run_scoped3A : memref<!tpu.dma_semaphore, #tpu.memory_space<semaphore_mem>>)
        %dma_wait3A = arith.constant 1 : i32
        %dma_wait3A_37 = arith.constant 0 : i32
        %dma_wait3A_38 = tpu.memref_slice %arg5[%dma_wait3A, %dma_wait3A_37] : memref<3x16384xi32, #tpu.memory_space<hbm>> -> memref<1x8192xi32, #tpu.memory_space<hbm>>
        %dma_wait3A_39 = arith.constant 1 : i32
        %dma_wait3A_40 = arith.constant 0 : i32
        %dma_wait3A_41 = tpu.memref_slice %arg5[%dma_wait3A_39, %dma_wait3A_40] : memref<3x16384xi32, #tpu.memory_space<hbm>> -> memref<1x8192xi32, #tpu.memory_space<hbm>>
        tpu.wait_dma2 semaphore(%run_scoped3A : memref<!tpu.dma_semaphore, #tpu.memory_space<semaphore_mem>>) src(%dma_wait3A_41 : memref<1x8192xi32, #tpu.memory_space<hbm>>) dst(%arg8 : memref<1x8192xi32, #tpu.memory_space<vmem>>)
        tpu.yield
      }) : () -> ()
      %parallel_loop3A = arith.constant 0 : i32
      %parallel_loop3A_27 = arith.constant 8192 : i32
      %parallel_loop3A_28 = arith.constant 16 : i32
      scf.for %parallel_loop3A_32 = %parallel_loop3A to %parallel_loop3A_27 step %parallel_loop3A_28  : i32 {
        %parallel_loop3A_33 = arith.constant 0 : i32
        %parallel_loop3A_34 = arith.index_cast %parallel_loop3A_33 : i32 to index
        %parallel_loop3A_35 = arith.index_cast %parallel_loop3A_32 : i32 to index
        %parallel_loop3A_36 = tpu.vector_load %arg8[%parallel_loop3A_34, %parallel_loop3A_35] {strides = array<i32>} : memref<1x8192xi32, #tpu.memory_space<vmem>>, vector<16xi32>,
        %parallel_loop3A_37 = tpu.vector_load_idx %arg7[%broadcast_in_dim3A_26, %parallel_loop3A_36] : memref<1x100001xf32, #tpu.memory_space<vmem>>[vector<16xi32>, vector<16xi32>], vector<16xf32>,
        %parallel_loop3A_38 = arith.constant 0 : i32
        %parallel_loop3A_39 = arith.index_cast %parallel_loop3A_38 : i32 to index
        %parallel_loop3A_40 = arith.index_cast %parallel_loop3A_32 : i32 to index
        %parallel_loop3A_41 = tpu.vector_load %arg9[%parallel_loop3A_39, %parallel_loop3A_40] {strides = array<i32>} : memref<1x8192xf32, #tpu.memory_space<vmem>>, vector<16xf32>,
        tpu.vector_store %arg9[%parallel_loop3A_39, %parallel_loop3A_40], %parallel_loop3A_37 {strides = array<i32>} : memref<1x8192xf32, #tpu.memory_space<vmem>>, vector<16xf32>,
      } {sc.loop_unroll_factor = 8 : i64, sc.parallel_access}
      "tpu.region"() ({
        %run_scoped3A = tpu.sem_alloc : memref<!tpu.dma_semaphore, #tpu.memory_space<semaphore_mem>>
        %dma_start3A = arith.constant 0 : i32
        %dma_start3A_32 = tpu.memref_slice %arg6[%add3A_25, %dma_start3A] : memref<72x16384xf32, #tpu.memory_space<hbm>> -> memref<1x8192xf32, #tpu.memory_space<hbm>>
        %dma_start3A_33 = arith.constant 0 : i32
        %dma_start3A_34 = tpu.memref_slice %arg6[%add3A_25, %dma_start3A_33] : memref<72x16384xf32, #tpu.memory_space<hbm>> -> memref<1x8192xf32, #tpu.memory_space<hbm>>
        tpu.enqueue_dma source(%arg9 : memref<1x8192xf32, #tpu.memory_space<vmem>>) target(%dma_start3A_34 : memref<1x8192xf32, #tpu.memory_space<hbm>>) target_semaphore(%run_scoped3A : memref<!tpu.dma_semaphore, #tpu.memory_space<semaphore_mem>>)
        %dma_wait3A = arith.constant 0 : i32
        %dma_wait3A_35 = tpu.memref_slice %arg6[%add3A_25, %dma_wait3A] : memref<72x16384xf32, #tpu.memory_space<hbm>> -> memref<1x8192xf32, #tpu.memory_space<hbm>>
        %dma_wait3A_36 = arith.constant 0 : i32
        %dma_wait3A_37 = tpu.memref_slice %arg6[%add3A_25, %dma_wait3A_36] : memref<72x16384xf32, #tpu.memory_space<hbm>> -> memref<1x8192xf32, #tpu.memory_space<hbm>>
        tpu.wait_dma2 semaphore(%run_scoped3A : memref<!tpu.dma_semaphore, #tpu.memory_space<semaphore_mem>>) src(%arg9 : memref<1x8192xf32, #tpu.memory_space<vmem>>) dst(%dma_wait3A_37 : memref<1x8192xf32, #tpu.memory_space<hbm>>)
        tpu.yield
      }) : () -> ()
      "tpu.region"() ({
        %run_scoped3A = tpu.sem_alloc : memref<!tpu.dma_semaphore, #tpu.memory_space<semaphore_mem>>
        %dma_start3A = arith.constant 1 : i32
        %dma_start3A_32 = arith.constant 8192 : i32
        %dma_start3A_33 = tpu.memref_slice %arg5[%dma_start3A, %dma_start3A_32] : memref<3x16384xi32, #tpu.memory_space<hbm>> -> memref<1x8192xi32, #tpu.memory_space<hbm>>
        %dma_start3A_34 = arith.constant 1 : i32
        %dma_start3A_35 = arith.constant 8192 : i32
        %dma_start3A_36 = tpu.memref_slice %arg5[%dma_start3A_34, %dma_start3A_35] : memref<3x16384xi32, #tpu.memory_space<hbm>> -> memref<1x8192xi32, #tpu.memory_space<hbm>>
        tpu.enqueue_dma source(%dma_start3A_36 : memref<1x8192xi32, #tpu.memory_space<hbm>>) target(%arg8 : memref<1x8192xi32, #tpu.memory_space<vmem>>) target_semaphore(%run_scoped3A : memref<!tpu.dma_semaphore, #tpu.memory_space<semaphore_mem>>)
        %dma_wait3A = arith.constant 1 : i32
        %dma_wait3A_37 = arith.constant 8192 : i32
        %dma_wait3A_38 = tpu.memref_slice %arg5[%dma_wait3A, %dma_wait3A_37] : memref<3x16384xi32, #tpu.memory_space<hbm>> -> memref<1x8192xi32, #tpu.memory_space<hbm>>
        %dma_wait3A_39 = arith.constant 1 : i32
        %dma_wait3A_40 = arith.constant 8192 : i32
        %dma_wait3A_41 = tpu.memref_slice %arg5[%dma_wait3A_39, %dma_wait3A_40] : memref<3x16384xi32, #tpu.memory_space<hbm>> -> memref<1x8192xi32, #tpu.memory_space<hbm>>
        tpu.wait_dma2 semaphore(%run_scoped3A : memref<!tpu.dma_semaphore, #tpu.memory_space<semaphore_mem>>) src(%dma_wait3A_41 : memref<1x8192xi32, #tpu.memory_space<hbm>>) dst(%arg8 : memref<1x8192xi32, #tpu.memory_space<vmem>>)
        tpu.yield
      }) : () -> ()
      %parallel_loop3A_29 = arith.constant 0 : i32
      %parallel_loop3A_30 = arith.constant 8192 : i32
      %parallel_loop3A_31 = arith.constant 16 : i32
      scf.for %parallel_loop3A_32 = %parallel_loop3A_29 to %parallel_loop3A_30 step %parallel_loop3A_31  : i32 {
        %parallel_loop3A_33 = arith.constant 0 : i32
        %parallel_loop3A_34 = arith.index_cast %parallel_loop3A_33 : i32 to index
        %parallel_loop3A_35 = arith.index_cast %parallel_loop3A_32 : i32 to index
        %parallel_loop3A_36 = tpu.vector_load %arg8[%parallel_loop3A_34, %parallel_loop3A_35] {strides = array<i32>} : memref<1x8192xi32, #tpu.memory_space<vmem>>, vector<16xi32>,
        %parallel_loop3A_37 = tpu.vector_load_idx %arg7[%broadcast_in_dim3A_26, %parallel_loop3A_36] : memref<1x100001xf32, #tpu.memory_space<vmem>>[vector<16xi32>, vector<16xi32>], vector<16xf32>,
        %parallel_loop3A_38 = arith.constant 0 : i32
        %parallel_loop3A_39 = arith.index_cast %parallel_loop3A_38 : i32 to index
        %parallel_loop3A_40 = arith.index_cast %parallel_loop3A_32 : i32 to index
        %parallel_loop3A_41 = tpu.vector_load %arg9[%parallel_loop3A_39, %parallel_loop3A_40] {strides = array<i32>} : memref<1x8192xf32, #tpu.memory_space<vmem>>, vector<16xf32>,
        tpu.vector_store %arg9[%parallel_loop3A_39, %parallel_loop3A_40], %parallel_loop3A_37 {strides = array<i32>} : memref<1x8192xf32, #tpu.memory_space<vmem>>, vector<16xf32>,
      } {sc.loop_unroll_factor = 8 : i64, sc.parallel_access}
      "tpu.region"() ({
        %run_scoped3A = tpu.sem_alloc : memref<!tpu.dma_semaphore, #tpu.memory_space<semaphore_mem>>
        %dma_start3A = arith.constant 8192 : i32
        %dma_start3A_32 = tpu.memref_slice %arg6[%add3A_25, %dma_start3A] : memref<72x16384xf32, #tpu.memory_space<hbm>> -> memref<1x8192xf32, #tpu.memory_space<hbm>>
        %dma_start3A_33 = arith.constant 8192 : i32
        %dma_start3A_34 = tpu.memref_slice %arg6[%add3A_25, %dma_start3A_33] : memref<72x16384xf32, #tpu.memory_space<hbm>> -> memref<1x8192xf32, #tpu.memory_space<hbm>>
        tpu.enqueue_dma source(%arg9 : memref<1x8192xf32, #tpu.memory_space<vmem>>) target(%dma_start3A_34 : memref<1x8192xf32, #tpu.memory_space<hbm>>) target_semaphore(%run_scoped3A : memref<!tpu.dma_semaphore, #tpu.memory_space<semaphore_mem>>)
        %dma_wait3A = arith.constant 8192 : i32
        %dma_wait3A_35 = tpu.memref_slice %arg6[%add3A_25, %dma_wait3A] : memref<72x16384xf32, #tpu.memory_space<hbm>> -> memref<1x8192xf32, #tpu.memory_space<hbm>>
        %dma_wait3A_36 = arith.constant 8192 : i32
        %dma_wait3A_37 = tpu.memref_slice %arg6[%add3A_25, %dma_wait3A_36] : memref<72x16384xf32, #tpu.memory_space<hbm>> -> memref<1x8192xf32, #tpu.memory_space<hbm>>
        tpu.wait_dma2 semaphore(%run_scoped3A : memref<!tpu.dma_semaphore, #tpu.memory_space<semaphore_mem>>) src(%arg9 : memref<1x8192xf32, #tpu.memory_space<vmem>>) dst(%dma_wait3A_37 : memref<1x8192xf32, #tpu.memory_space<hbm>>)
        tpu.yield
      }) : () -> ()
    } else {
    }
    %ge3A_12 = arith.constant 8 : i32
    %ge3A_13 = arith.cmpi sge, %add3A, %ge3A_12 : i32
    %convert_element_type3A_14 = arith.extui %ge3A_13 : i1 to i32
    %cond3A_15 = arith.constant 0 : i32
    %cond3A_16 = arith.cmpi ne, %convert_element_type3A_14, %cond3A_15 : i32
    scf.if %cond3A_16 {
      %sub3A = arith.constant 8 : i32
      %sub3A_22 = arith.subi %add3A, %sub3A : i32
      %add3A_23 = arith.constant 32 : i32
      %add3A_24 = arith.addi %add3A, %add3A_23 : i32
      "tpu.region"() ({
        %run_scoped3A = tpu.sem_alloc : memref<!tpu.dma_semaphore, #tpu.memory_space<semaphore_mem>>
        %dma_start3A = arith.constant 0 : i32
        %dma_start3A_31 = tpu.memref_slice %arg4[%sub3A_22, %dma_start3A] : memref<32x100001xf32, #tpu.memory_space<hbm>> -> memref<1x100001xf32, #tpu.memory_space<hbm>>
        %dma_start3A_32 = arith.constant 0 : i32
        %dma_start3A_33 = tpu.memref_slice %arg4[%sub3A_22, %dma_start3A_32] : memref<32x100001xf32, #tpu.memory_space<hbm>> -> memref<1x100001xf32, #tpu.memory_space<hbm>>
        tpu.enqueue_dma source(%dma_start3A_33 : memref<1x100001xf32, #tpu.memory_space<hbm>>) target(%arg7 : memref<1x100001xf32, #tpu.memory_space<vmem>>) target_semaphore(%run_scoped3A : memref<!tpu.dma_semaphore, #tpu.memory_space<semaphore_mem>>)
        %dma_wait3A = arith.constant 0 : i32
        %dma_wait3A_34 = tpu.memref_slice %arg4[%sub3A_22, %dma_wait3A] : memref<32x100001xf32, #tpu.memory_space<hbm>> -> memref<1x100001xf32, #tpu.memory_space<hbm>>
        %dma_wait3A_35 = arith.constant 0 : i32
        %dma_wait3A_36 = tpu.memref_slice %arg4[%sub3A_22, %dma_wait3A_35] : memref<32x100001xf32, #tpu.memory_space<hbm>> -> memref<1x100001xf32, #tpu.memory_space<hbm>>
        tpu.wait_dma2 semaphore(%run_scoped3A : memref<!tpu.dma_semaphore, #tpu.memory_space<semaphore_mem>>) src(%dma_wait3A_36 : memref<1x100001xf32, #tpu.memory_space<hbm>>) dst(%arg7 : memref<1x100001xf32, #tpu.memory_space<vmem>>)
        tpu.yield
      }) : () -> ()
      %broadcast_in_dim3A = arith.constant 0 : i32
      %broadcast_in_dim3A_25 = vector.broadcast %broadcast_in_dim3A : i32 to vector<16xi32>
      "tpu.region"() ({
        %run_scoped3A = tpu.sem_alloc : memref<!tpu.dma_semaphore, #tpu.memory_space<semaphore_mem>>
        %dma_start3A = arith.constant 2 : i32
        %dma_start3A_31 = arith.constant 0 : i32
        %dma_start3A_32 = tpu.memref_slice %arg5[%dma_start3A, %dma_start3A_31] : memref<3x16384xi32, #tpu.memory_space<hbm>> -> memref<1x8192xi32, #tpu.memory_space<hbm>>
        %dma_start3A_33 = arith.constant 2 : i32
        %dma_start3A_34 = arith.constant 0 : i32
        %dma_start3A_35 = tpu.memref_slice %arg5[%dma_start3A_33, %dma_start3A_34] : memref<3x16384xi32, #tpu.memory_space<hbm>> -> memref<1x8192xi32, #tpu.memory_space<hbm>>
        tpu.enqueue_dma source(%dma_start3A_35 : memref<1x8192xi32, #tpu.memory_space<hbm>>) target(%arg8 : memref<1x8192xi32, #tpu.memory_space<vmem>>) target_semaphore(%run_scoped3A : memref<!tpu.dma_semaphore, #tpu.memory_space<semaphore_mem>>)
        %dma_wait3A = arith.constant 2 : i32
        %dma_wait3A_36 = arith.constant 0 : i32
        %dma_wait3A_37 = tpu.memref_slice %arg5[%dma_wait3A, %dma_wait3A_36] : memref<3x16384xi32, #tpu.memory_space<hbm>> -> memref<1x8192xi32, #tpu.memory_space<hbm>>
        %dma_wait3A_38 = arith.constant 2 : i32
        %dma_wait3A_39 = arith.constant 0 : i32
        %dma_wait3A_40 = tpu.memref_slice %arg5[%dma_wait3A_38, %dma_wait3A_39] : memref<3x16384xi32, #tpu.memory_space<hbm>> -> memref<1x8192xi32, #tpu.memory_space<hbm>>
        tpu.wait_dma2 semaphore(%run_scoped3A : memref<!tpu.dma_semaphore, #tpu.memory_space<semaphore_mem>>) src(%dma_wait3A_40 : memref<1x8192xi32, #tpu.memory_space<hbm>>) dst(%arg8 : memref<1x8192xi32, #tpu.memory_space<vmem>>)
        tpu.yield
      }) : () -> ()
      %parallel_loop3A = arith.constant 0 : i32
      %parallel_loop3A_26 = arith.constant 8192 : i32
      %parallel_loop3A_27 = arith.constant 16 : i32
      scf.for %parallel_loop3A_31 = %parallel_loop3A to %parallel_loop3A_26 step %parallel_loop3A_27  : i32 {
        %parallel_loop3A_32 = arith.constant 0 : i32
        %parallel_loop3A_33 = arith.index_cast %parallel_loop3A_32 : i32 to index
        %parallel_loop3A_34 = arith.index_cast %parallel_loop3A_31 : i32 to index
        %parallel_loop3A_35 = tpu.vector_load %arg8[%parallel_loop3A_33, %parallel_loop3A_34] {strides = array<i32>} : memref<1x8192xi32, #tpu.memory_space<vmem>>, vector<16xi32>,
        %parallel_loop3A_36 = tpu.vector_load_idx %arg7[%broadcast_in_dim3A_25, %parallel_loop3A_35] : memref<1x100001xf32, #tpu.memory_space<vmem>>[vector<16xi32>, vector<16xi32>], vector<16xf32>,
        %parallel_loop3A_37 = arith.constant 0 : i32
        %parallel_loop3A_38 = arith.index_cast %parallel_loop3A_37 : i32 to index
        %parallel_loop3A_39 = arith.index_cast %parallel_loop3A_31 : i32 to index
        %parallel_loop3A_40 = tpu.vector_load %arg9[%parallel_loop3A_38, %parallel_loop3A_39] {strides = array<i32>} : memref<1x8192xf32, #tpu.memory_space<vmem>>, vector<16xf32>,
        tpu.vector_store %arg9[%parallel_loop3A_38, %parallel_loop3A_39], %parallel_loop3A_36 {strides = array<i32>} : memref<1x8192xf32, #tpu.memory_space<vmem>>, vector<16xf32>,
      } {sc.loop_unroll_factor = 8 : i64, sc.parallel_access}
      "tpu.region"() ({
        %run_scoped3A = tpu.sem_alloc : memref<!tpu.dma_semaphore, #tpu.memory_space<semaphore_mem>>
        %dma_start3A = arith.constant 0 : i32
        %dma_start3A_31 = tpu.memref_slice %arg6[%add3A_24, %dma_start3A] : memref<72x16384xf32, #tpu.memory_space<hbm>> -> memref<1x8192xf32, #tpu.memory_space<hbm>>
        %dma_start3A_32 = arith.constant 0 : i32
        %dma_start3A_33 = tpu.memref_slice %arg6[%add3A_24, %dma_start3A_32] : memref<72x16384xf32, #tpu.memory_space<hbm>> -> memref<1x8192xf32, #tpu.memory_space<hbm>>
        tpu.enqueue_dma source(%arg9 : memref<1x8192xf32, #tpu.memory_space<vmem>>) target(%dma_start3A_33 : memref<1x8192xf32, #tpu.memory_space<hbm>>) target_semaphore(%run_scoped3A : memref<!tpu.dma_semaphore, #tpu.memory_space<semaphore_mem>>)
        %dma_wait3A = arith.constant 0 : i32
        %dma_wait3A_34 = tpu.memref_slice %arg6[%add3A_24, %dma_wait3A] : memref<72x16384xf32, #tpu.memory_space<hbm>> -> memref<1x8192xf32, #tpu.memory_space<hbm>>
        %dma_wait3A_35 = arith.constant 0 : i32
        %dma_wait3A_36 = tpu.memref_slice %arg6[%add3A_24, %dma_wait3A_35] : memref<72x16384xf32, #tpu.memory_space<hbm>> -> memref<1x8192xf32, #tpu.memory_space<hbm>>
        tpu.wait_dma2 semaphore(%run_scoped3A : memref<!tpu.dma_semaphore, #tpu.memory_space<semaphore_mem>>) src(%arg9 : memref<1x8192xf32, #tpu.memory_space<vmem>>) dst(%dma_wait3A_36 : memref<1x8192xf32, #tpu.memory_space<hbm>>)
        tpu.yield
      }) : () -> ()
      "tpu.region"() ({
        %run_scoped3A = tpu.sem_alloc : memref<!tpu.dma_semaphore, #tpu.memory_space<semaphore_mem>>
        %dma_start3A = arith.constant 2 : i32
        %dma_start3A_31 = arith.constant 8192 : i32
        %dma_start3A_32 = tpu.memref_slice %arg5[%dma_start3A, %dma_start3A_31] : memref<3x16384xi32, #tpu.memory_space<hbm>> -> memref<1x8192xi32, #tpu.memory_space<hbm>>
        %dma_start3A_33 = arith.constant 2 : i32
        %dma_start3A_34 = arith.constant 8192 : i32
        %dma_start3A_35 = tpu.memref_slice %arg5[%dma_start3A_33, %dma_start3A_34] : memref<3x16384xi32, #tpu.memory_space<hbm>> -> memref<1x8192xi32, #tpu.memory_space<hbm>>
        tpu.enqueue_dma source(%dma_start3A_35 : memref<1x8192xi32, #tpu.memory_space<hbm>>) target(%arg8 : memref<1x8192xi32, #tpu.memory_space<vmem>>) target_semaphore(%run_scoped3A : memref<!tpu.dma_semaphore, #tpu.memory_space<semaphore_mem>>)
        %dma_wait3A = arith.constant 2 : i32
        %dma_wait3A_36 = arith.constant 8192 : i32
        %dma_wait3A_37 = tpu.memref_slice %arg5[%dma_wait3A, %dma_wait3A_36] : memref<3x16384xi32, #tpu.memory_space<hbm>> -> memref<1x8192xi32, #tpu.memory_space<hbm>>
        %dma_wait3A_38 = arith.constant 2 : i32
        %dma_wait3A_39 = arith.constant 8192 : i32
        %dma_wait3A_40 = tpu.memref_slice %arg5[%dma_wait3A_38, %dma_wait3A_39] : memref<3x16384xi32, #tpu.memory_space<hbm>> -> memref<1x8192xi32, #tpu.memory_space<hbm>>
        tpu.wait_dma2 semaphore(%run_scoped3A : memref<!tpu.dma_semaphore, #tpu.memory_space<semaphore_mem>>) src(%dma_wait3A_40 : memref<1x8192xi32, #tpu.memory_space<hbm>>) dst(%arg8 : memref<1x8192xi32, #tpu.memory_space<vmem>>)
        tpu.yield
      }) : () -> ()
      %parallel_loop3A_28 = arith.constant 0 : i32
      %parallel_loop3A_29 = arith.constant 8192 : i32
      %parallel_loop3A_30 = arith.constant 16 : i32
      scf.for %parallel_loop3A_31 = %parallel_loop3A_28 to %parallel_loop3A_29 step %parallel_loop3A_30  : i32 {
        %parallel_loop3A_32 = arith.constant 0 : i32
        %parallel_loop3A_33 = arith.index_cast %parallel_loop3A_32 : i32 to index
        %parallel_loop3A_34 = arith.index_cast %parallel_loop3A_31 : i32 to index
        %parallel_loop3A_35 = tpu.vector_load %arg8[%parallel_loop3A_33, %parallel_loop3A_34] {strides = array<i32>} : memref<1x8192xi32, #tpu.memory_space<vmem>>, vector<16xi32>,
        %parallel_loop3A_36 = tpu.vector_load_idx %arg7[%broadcast_in_dim3A_25, %parallel_loop3A_35] : memref<1x100001xf32, #tpu.memory_space<vmem>>[vector<16xi32>, vector<16xi32>], vector<16xf32>,
        %parallel_loop3A_37 = arith.constant 0 : i32
        %parallel_loop3A_38 = arith.index_cast %parallel_loop3A_37 : i32 to index
        %parallel_loop3A_39 = arith.index_cast %parallel_loop3A_31 : i32 to index
        %parallel_loop3A_40 = tpu.vector_load %arg9[%parallel_loop3A_38, %parallel_loop3A_39] {strides = array<i32>} : memref<1x8192xf32, #tpu.memory_space<vmem>>, vector<16xf32>,
        tpu.vector_store %arg9[%parallel_loop3A_38, %parallel_loop3A_39], %parallel_loop3A_36 {strides = array<i32>} : memref<1x8192xf32, #tpu.memory_space<vmem>>, vector<16xf32>,
      } {sc.loop_unroll_factor = 8 : i64, sc.parallel_access}
      "tpu.region"() ({
        %run_scoped3A = tpu.sem_alloc : memref<!tpu.dma_semaphore, #tpu.memory_space<semaphore_mem>>
        %dma_start3A = arith.constant 8192 : i32
        %dma_start3A_31 = tpu.memref_slice %arg6[%add3A_24, %dma_start3A] : memref<72x16384xf32, #tpu.memory_space<hbm>> -> memref<1x8192xf32, #tpu.memory_space<hbm>>
        %dma_start3A_32 = arith.constant 8192 : i32
        %dma_start3A_33 = tpu.memref_slice %arg6[%add3A_24, %dma_start3A_32] : memref<72x16384xf32, #tpu.memory_space<hbm>> -> memref<1x8192xf32, #tpu.memory_space<hbm>>
        tpu.enqueue_dma source(%arg9 : memref<1x8192xf32, #tpu.memory_space<vmem>>) target(%dma_start3A_33 : memref<1x8192xf32, #tpu.memory_space<hbm>>) target_semaphore(%run_scoped3A : memref<!tpu.dma_semaphore, #tpu.memory_space<semaphore_mem>>)
        %dma_wait3A = arith.constant 8192 : i32
        %dma_wait3A_34 = tpu.memref_slice %arg6[%add3A_24, %dma_wait3A] : memref<72x16384xf32, #tpu.memory_space<hbm>> -> memref<1x8192xf32, #tpu.memory_space<hbm>>
        %dma_wait3A_35 = arith.constant 8192 : i32
        %dma_wait3A_36 = tpu.memref_slice %arg6[%add3A_24, %dma_wait3A_35] : memref<72x16384xf32, #tpu.memory_space<hbm>> -> memref<1x8192xf32, #tpu.memory_space<hbm>>
        tpu.wait_dma2 semaphore(%run_scoped3A : memref<!tpu.dma_semaphore, #tpu.memory_space<semaphore_mem>>) src(%arg9 : memref<1x8192xf32, #tpu.memory_space<vmem>>) dst(%dma_wait3A_36 : memref<1x8192xf32, #tpu.memory_space<hbm>>)
        tpu.yield
      }) : () -> ()
    } else {
    }
    %lt3A_17 = arith.constant 8 : i32
    %lt3A_18 = arith.cmpi slt, %add3A, %lt3A_17 : i32
    %convert_element_type3A_19 = arith.extui %lt3A_18 : i1 to i32
    %cond3A_20 = arith.constant 0 : i32
    %cond3A_21 = arith.cmpi ne, %convert_element_type3A_19, %cond3A_20 : i32
    scf.if %cond3A_21 {
      %add3A_22 = arith.constant 24 : i32
      %add3A_23 = arith.addi %add3A, %add3A_22 : i32
      %add3A_24 = arith.constant 64 : i32
      %add3A_25 = arith.addi %add3A, %add3A_24 : i32
      "tpu.region"() ({
        %run_scoped3A = tpu.sem_alloc : memref<!tpu.dma_semaphore, #tpu.memory_space<semaphore_mem>>
        %dma_start3A = arith.constant 0 : i32
        %dma_start3A_32 = tpu.memref_slice %arg4[%add3A_23, %dma_start3A] : memref<32x100001xf32, #tpu.memory_space<hbm>> -> memref<1x100001xf32, #tpu.memory_space<hbm>>
        %dma_start3A_33 = arith.constant 0 : i32
        %dma_start3A_34 = tpu.memref_slice %arg4[%add3A_23, %dma_start3A_33] : memref<32x100001xf32, #tpu.memory_space<hbm>> -> memref<1x100001xf32, #tpu.memory_space<hbm>>
        tpu.enqueue_dma source(%dma_start3A_34 : memref<1x100001xf32, #tpu.memory_space<hbm>>) target(%arg7 : memref<1x100001xf32, #tpu.memory_space<vmem>>) target_semaphore(%run_scoped3A : memref<!tpu.dma_semaphore, #tpu.memory_space<semaphore_mem>>)
        %dma_wait3A = arith.constant 0 : i32
        %dma_wait3A_35 = tpu.memref_slice %arg4[%add3A_23, %dma_wait3A] : memref<32x100001xf32, #tpu.memory_space<hbm>> -> memref<1x100001xf32, #tpu.memory_space<hbm>>
        %dma_wait3A_36 = arith.constant 0 : i32
        %dma_wait3A_37 = tpu.memref_slice %arg4[%add3A_23, %dma_wait3A_36] : memref<32x100001xf32, #tpu.memory_space<hbm>> -> memref<1x100001xf32, #tpu.memory_space<hbm>>
        tpu.wait_dma2 semaphore(%run_scoped3A : memref<!tpu.dma_semaphore, #tpu.memory_space<semaphore_mem>>) src(%dma_wait3A_37 : memref<1x100001xf32, #tpu.memory_space<hbm>>) dst(%arg7 : memref<1x100001xf32, #tpu.memory_space<vmem>>)
        tpu.yield
      }) : () -> ()
      %broadcast_in_dim3A = arith.constant 0 : i32
      %broadcast_in_dim3A_26 = vector.broadcast %broadcast_in_dim3A : i32 to vector<16xi32>
      "tpu.region"() ({
        %run_scoped3A = tpu.sem_alloc : memref<!tpu.dma_semaphore, #tpu.memory_space<semaphore_mem>>
        %dma_start3A = arith.constant 2 : i32
        %dma_start3A_32 = arith.constant 0 : i32
        %dma_start3A_33 = tpu.memref_slice %arg5[%dma_start3A, %dma_start3A_32] : memref<3x16384xi32, #tpu.memory_space<hbm>> -> memref<1x8192xi32, #tpu.memory_space<hbm>>
        %dma_start3A_34 = arith.constant 2 : i32
        %dma_start3A_35 = arith.constant 0 : i32
        %dma_start3A_36 = tpu.memref_slice %arg5[%dma_start3A_34, %dma_start3A_35] : memref<3x16384xi32, #tpu.memory_space<hbm>> -> memref<1x8192xi32, #tpu.memory_space<hbm>>
        tpu.enqueue_dma source(%dma_start3A_36 : memref<1x8192xi32, #tpu.memory_space<hbm>>) target(%arg8 : memref<1x8192xi32, #tpu.memory_space<vmem>>) target_semaphore(%run_scoped3A : memref<!tpu.dma_semaphore, #tpu.memory_space<semaphore_mem>>)
        %dma_wait3A = arith.constant 2 : i32
        %dma_wait3A_37 = arith.constant 0 : i32
        %dma_wait3A_38 = tpu.memref_slice %arg5[%dma_wait3A, %dma_wait3A_37] : memref<3x16384xi32, #tpu.memory_space<hbm>> -> memref<1x8192xi32, #tpu.memory_space<hbm>>
        %dma_wait3A_39 = arith.constant 2 : i32
        %dma_wait3A_40 = arith.constant 0 : i32
        %dma_wait3A_41 = tpu.memref_slice %arg5[%dma_wait3A_39, %dma_wait3A_40] : memref<3x16384xi32, #tpu.memory_space<hbm>> -> memref<1x8192xi32, #tpu.memory_space<hbm>>
        tpu.wait_dma2 semaphore(%run_scoped3A : memref<!tpu.dma_semaphore, #tpu.memory_space<semaphore_mem>>) src(%dma_wait3A_41 : memref<1x8192xi32, #tpu.memory_space<hbm>>) dst(%arg8 : memref<1x8192xi32, #tpu.memory_space<vmem>>)
        tpu.yield
      }) : () -> ()
      %parallel_loop3A = arith.constant 0 : i32
      %parallel_loop3A_27 = arith.constant 8192 : i32
      %parallel_loop3A_28 = arith.constant 16 : i32
      scf.for %parallel_loop3A_32 = %parallel_loop3A to %parallel_loop3A_27 step %parallel_loop3A_28  : i32 {
        %parallel_loop3A_33 = arith.constant 0 : i32
        %parallel_loop3A_34 = arith.index_cast %parallel_loop3A_33 : i32 to index
        %parallel_loop3A_35 = arith.index_cast %parallel_loop3A_32 : i32 to index
        %parallel_loop3A_36 = tpu.vector_load %arg8[%parallel_loop3A_34, %parallel_loop3A_35] {strides = array<i32>} : memref<1x8192xi32, #tpu.memory_space<vmem>>, vector<16xi32>,
        %parallel_loop3A_37 = tpu.vector_load_idx %arg7[%broadcast_in_dim3A_26, %parallel_loop3A_36] : memref<1x100001xf32, #tpu.memory_space<vmem>>[vector<16xi32>, vector<16xi32>], vector<16xf32>,
        %parallel_loop3A_38 = arith.constant 0 : i32
        %parallel_loop3A_39 = arith.index_cast %parallel_loop3A_38 : i32 to index
        %parallel_loop3A_40 = arith.index_cast %parallel_loop3A_32 : i32 to index
        %parallel_loop3A_41 = tpu.vector_load %arg9[%parallel_loop3A_39, %parallel_loop3A_40] {strides = array<i32>} : memref<1x8192xf32, #tpu.memory_space<vmem>>, vector<16xf32>,
        tpu.vector_store %arg9[%parallel_loop3A_39, %parallel_loop3A_40], %parallel_loop3A_37 {strides = array<i32>} : memref<1x8192xf32, #tpu.memory_space<vmem>>, vector<16xf32>,
      } {sc.loop_unroll_factor = 8 : i64, sc.parallel_access}
      "tpu.region"() ({
        %run_scoped3A = tpu.sem_alloc : memref<!tpu.dma_semaphore, #tpu.memory_space<semaphore_mem>>
        %dma_start3A = arith.constant 0 : i32
        %dma_start3A_32 = tpu.memref_slice %arg6[%add3A_25, %dma_start3A] : memref<72x16384xf32, #tpu.memory_space<hbm>> -> memref<1x8192xf32, #tpu.memory_space<hbm>>
        %dma_start3A_33 = arith.constant 0 : i32
        %dma_start3A_34 = tpu.memref_slice %arg6[%add3A_25, %dma_start3A_33] : memref<72x16384xf32, #tpu.memory_space<hbm>> -> memref<1x8192xf32, #tpu.memory_space<hbm>>
        tpu.enqueue_dma source(%arg9 : memref<1x8192xf32, #tpu.memory_space<vmem>>) target(%dma_start3A_34 : memref<1x8192xf32, #tpu.memory_space<hbm>>) target_semaphore(%run_scoped3A : memref<!tpu.dma_semaphore, #tpu.memory_space<semaphore_mem>>)
        %dma_wait3A = arith.constant 0 : i32
        %dma_wait3A_35 = tpu.memref_slice %arg6[%add3A_25, %dma_wait3A] : memref<72x16384xf32, #tpu.memory_space<hbm>> -> memref<1x8192xf32, #tpu.memory_space<hbm>>
        %dma_wait3A_36 = arith.constant 0 : i32
        %dma_wait3A_37 = tpu.memref_slice %arg6[%add3A_25, %dma_wait3A_36] : memref<72x16384xf32, #tpu.memory_space<hbm>> -> memref<1x8192xf32, #tpu.memory_space<hbm>>
        tpu.wait_dma2 semaphore(%run_scoped3A : memref<!tpu.dma_semaphore, #tpu.memory_space<semaphore_mem>>) src(%arg9 : memref<1x8192xf32, #tpu.memory_space<vmem>>) dst(%dma_wait3A_37 : memref<1x8192xf32, #tpu.memory_space<hbm>>)
        tpu.yield
      }) : () -> ()
      "tpu.region"() ({
        %run_scoped3A = tpu.sem_alloc : memref<!tpu.dma_semaphore, #tpu.memory_space<semaphore_mem>>
        %dma_start3A = arith.constant 2 : i32
        %dma_start3A_32 = arith.constant 8192 : i32
        %dma_start3A_33 = tpu.memref_slice %arg5[%dma_start3A, %dma_start3A_32] : memref<3x16384xi32, #tpu.memory_space<hbm>> -> memref<1x8192xi32, #tpu.memory_space<hbm>>
        %dma_start3A_34 = arith.constant 2 : i32
        %dma_start3A_35 = arith.constant 8192 : i32
        %dma_start3A_36 = tpu.memref_slice %arg5[%dma_start3A_34, %dma_start3A_35] : memref<3x16384xi32, #tpu.memory_space<hbm>> -> memref<1x8192xi32, #tpu.memory_space<hbm>>
        tpu.enqueue_dma source(%dma_start3A_36 : memref<1x8192xi32, #tpu.memory_space<hbm>>) target(%arg8 : memref<1x8192xi32, #tpu.memory_space<vmem>>) target_semaphore(%run_scoped3A : memref<!tpu.dma_semaphore, #tpu.memory_space<semaphore_mem>>)
        %dma_wait3A = arith.constant 2 : i32
        %dma_wait3A_37 = arith.constant 8192 : i32
        %dma_wait3A_38 = tpu.memref_slice %arg5[%dma_wait3A, %dma_wait3A_37] : memref<3x16384xi32, #tpu.memory_space<hbm>> -> memref<1x8192xi32, #tpu.memory_space<hbm>>
        %dma_wait3A_39 = arith.constant 2 : i32
        %dma_wait3A_40 = arith.constant 8192 : i32
        %dma_wait3A_41 = tpu.memref_slice %arg5[%dma_wait3A_39, %dma_wait3A_40] : memref<3x16384xi32, #tpu.memory_space<hbm>> -> memref<1x8192xi32, #tpu.memory_space<hbm>>
        tpu.wait_dma2 semaphore(%run_scoped3A : memref<!tpu.dma_semaphore, #tpu.memory_space<semaphore_mem>>) src(%dma_wait3A_41 : memref<1x8192xi32, #tpu.memory_space<hbm>>) dst(%arg8 : memref<1x8192xi32, #tpu.memory_space<vmem>>)
        tpu.yield
      }) : () -> ()
      %parallel_loop3A_29 = arith.constant 0 : i32
      %parallel_loop3A_30 = arith.constant 8192 : i32
      %parallel_loop3A_31 = arith.constant 16 : i32
      scf.for %parallel_loop3A_32 = %parallel_loop3A_29 to %parallel_loop3A_30 step %parallel_loop3A_31  : i32 {
        %parallel_loop3A_33 = arith.constant 0 : i32
        %parallel_loop3A_34 = arith.index_cast %parallel_loop3A_33 : i32 to index
        %parallel_loop3A_35 = arith.index_cast %parallel_loop3A_32 : i32 to index
        %parallel_loop3A_36 = tpu.vector_load %arg8[%parallel_loop3A_34, %parallel_loop3A_35] {strides = array<i32>} : memref<1x8192xi32, #tpu.memory_space<vmem>>, vector<16xi32>,
        %parallel_loop3A_37 = tpu.vector_load_idx %arg7[%broadcast_in_dim3A_26, %parallel_loop3A_36] : memref<1x100001xf32, #tpu.memory_space<vmem>>[vector<16xi32>, vector<16xi32>], vector<16xf32>,
        %parallel_loop3A_38 = arith.constant 0 : i32
        %parallel_loop3A_39 = arith.index_cast %parallel_loop3A_38 : i32 to index
        %parallel_loop3A_40 = arith.index_cast %parallel_loop3A_32 : i32 to index
        %parallel_loop3A_41 = tpu.vector_load %arg9[%parallel_loop3A_39, %parallel_loop3A_40] {strides = array<i32>} : memref<1x8192xf32, #tpu.memory_space<vmem>>, vector<16xf32>,
        tpu.vector_store %arg9[%parallel_loop3A_39, %parallel_loop3A_40], %parallel_loop3A_37 {strides = array<i32>} : memref<1x8192xf32, #tpu.memory_space<vmem>>, vector<16xf32>,
      } {sc.loop_unroll_factor = 8 : i64, sc.parallel_access}
      "tpu.region"() ({
        %run_scoped3A = tpu.sem_alloc : memref<!tpu.dma_semaphore, #tpu.memory_space<semaphore_mem>>
        %dma_start3A = arith.constant 8192 : i32
        %dma_start3A_32 = tpu.memref_slice %arg6[%add3A_25, %dma_start3A] : memref<72x16384xf32, #tpu.memory_space<hbm>> -> memref<1x8192xf32, #tpu.memory_space<hbm>>
        %dma_start3A_33 = arith.constant 8192 : i32
        %dma_start3A_34 = tpu.memref_slice %arg6[%add3A_25, %dma_start3A_33] : memref<72x16384xf32, #tpu.memory_space<hbm>> -> memref<1x8192xf32, #tpu.memory_space<hbm>>
        tpu.enqueue_dma source(%arg9 : memref<1x8192xf32, #tpu.memory_space<vmem>>) target(%dma_start3A_34 : memref<1x8192xf32, #tpu.memory_space<hbm>>) target_semaphore(%run_scoped3A : memref<!tpu.dma_semaphore, #tpu.memory_space<semaphore_mem>>)
        %dma_wait3A = arith.constant 8192 : i32
        %dma_wait3A_35 = tpu.memref_slice %arg6[%add3A_25, %dma_wait3A] : memref<72x16384xf32, #tpu.memory_space<hbm>> -> memref<1x8192xf32, #tpu.memory_space<hbm>>
        %dma_wait3A_36 = arith.constant 8192 : i32
        %dma_wait3A_37 = tpu.memref_slice %arg6[%add3A_25, %dma_wait3A_36] : memref<72x16384xf32, #tpu.memory_space<hbm>> -> memref<1x8192xf32, #tpu.memory_space<hbm>>
        tpu.wait_dma2 semaphore(%run_scoped3A : memref<!tpu.dma_semaphore, #tpu.memory_space<semaphore_mem>>) src(%arg9 : memref<1x8192xf32, #tpu.memory_space<vmem>>) dst(%dma_wait3A_37 : memref<1x8192xf32, #tpu.memory_space<hbm>>)
        tpu.yield
      }) : () -> ()
    } else {
    }
    return
  }
}

</mosaic_0001>

<sc_bundles>
// kernel: kernel.3.cloned.1.call-start
scs
__scs_entry_jumppad:
0x0: {  	(pc) =	sbr.rel $0x88, $3  }
0x1: {  	(tag) =	ssettag $0x0;
	lr =	simm.s32 $0x1  }
0x2: {  	[smem:$0x3F9D] =	sst lr;
	_ =	strace $0xD0000000  }
0x3: {  	_ = 	snop  }
0x4: {  	_ = 	snop  }
0x5: {  	_ = 	snop  }
0x6: {  	_ = 	snop  }
0x7: {  	_ = 	snop  }
__scs_overlays_trampoline_lowered:
0x8: {  	[smem:$0x3FAC] =	sst s0  }
0x9: {  	[smem:$0x3FAD] =	sst s1  }
0xa: {  	[smem:$0x3FAE] =	sst s2  }
0xb: {  	[smem:$0x3FAF] =	sst s3  }
0xc: {  	[smem:$0x3FB0] =	sst s4  }
0xd: {  	[smem:$0x3FB1] =	sst s5  }
0xe: {  	[smem:$0x3FB2] =	sst s6  }
0xf: {  	[smem:$0x3FB3] =	sst s7  }
0x10: {  	[smem:$0x3FB4] =	sst s8  }
0x11: {  	[smem:$0x3FB5] =	sst s9;
	s0 =	simm.s32 @!p0 $0x0  }
0x12: {  	s1 =	sld [smem:$0x3F9B];
	s0 =	simm.s32 @p0 $0x1  }
0x13: {  	[smem:$0x3FB6] =	sst s0;
	s0 =	simm.s32 @!p1 $0x0  }
0x14: {  	s2 =	sld [smem:$0x3F9A];
	s0 =	simm.s32 @p1 $0x1  }
0x15: {  	[smem:$0x3FB7] =	sst s0;
	s0 =	simm.s32 @!p2 $0x0  }
0x16: {  	s3 =	sld [smem:$0x3FDB];
	s0 =	simm.s32 @p2 $0x1  }
0x17: {  	s4 =	simm.s32 $0x1BF5;
	[smem:$0x3FB9] =	sst s0  }
0x18: {  	s0 =	sld [smem:$0x3F9C];
	_ =	swait.ge [sflag:s4], $0x0  }
0x19: {  	s7 =	sld [smem:$0x3F9D]  }
0x1a: {  	s8 =	sadd.s32 $0xFFFFE003, lr  }
0x1b: {  	s9 =	sadd.s32 $0xFFFFFEF7, lr;
	s5 =	simm.s32 $0xFFFFFFFF;
	p2 =	slt.u32 s8, $0xFFFFF086  }
0x1c: {  	p1 =	slt.u32 s9, $0xF7A;
	s5 =	simm.s32 @!p2 $0x0  }
0x1d: {  	s5 =	simm.s32 @p1 $0x1;
	p0 =	seq.s32 s7, s2  }
0x1e: {  	s7 =	smul.u32 @!p0 $0xF7A, s2;
	p2 =	seq.s32 @!p0 s5, $0x0  }
0x1f: {  	s9 =	smul.u32 $0xF7A, s1;
	s8 =	simm.s32 @!p0 $0x1BF5;
	p2 =	por !p2, p0  }
0x20: {  	[sflag:s8] =	ssyncset.s32 @!p0 $0xFFFFF086;
	s6 =	sadd.s32 @!p0 s3, s7;
	s7 =	simm.s32 @!p0 $0x108  }
0x21: {  	s3 =	sadd.s32 s3, s9;
	s6 =	sadd.s32 @!p0 $0x88, s6;
	s7 =	simm.s32 @p2 $0x1082  }
0x22: {  	[simem:s7], [sflag:s8] =	dma.local @!p0 [hbm:s6], $0xF7A  }
0x23: {  	s9 =	sor.u32 $0xD0000000, s2;
	s6 =	simm.s32 $0x108;
	_ =	swait.ge @!p0 [sflag:s8], $0x0  }
0x24: {  	s3 =	sadd.s32 $0x88, s3;
	s6 =	simm.s32 @!p1 $0x1082;
	[sflag:s4] =	ssyncset.s32 $0xFFFFF086  }
0x25: {  	[simem:s6], [sflag:s4] =	dma.local [hbm:s3], $0xF7A  }
0x26: {  	[smem:$0x3F9D] =	sst s1;
	(tag) =	ssettag s2;
	_ =	strace s9  }
0x27: {  	s1 =	sld [smem:$0x3FAD]  }
0x28: {  	s2 =	sld [smem:$0x3FAE]  }
0x29: {  	s4 =	sld [smem:$0x3FB0]  }
0x2a: {  	p0 =	seq.s32 s5, $0x0;
	s5 =	sld [smem:$0x3FB1]  }
0x2b: {  	s6 =	sld [smem:$0x3FB2]  }
0x2c: {  	s7 =	sld [smem:$0x3FB3]  }
0x2d: {  	s3 =	simm.s32 $0x108;
	s8 =	sld [smem:$0x3FB4]  }
0x2e: {  	s3 =	simm.s32 @!p0 $0x1082;
	s9 =	sld [smem:$0x3FB5]  }
0x2f: {  	lr =	sadd.s32 s0, s3;
	s0 =	sld [smem:$0x3FAC]  }
0x30: {  	s3 =	sld [smem:$0x3FAF]  }
0x31: {  	[smem:$0x3FB8] =	sst s10  }
0x32: {  	s10 =	sld [smem:$0x3FB6];
	_ =	sdelay $0x3  }
0x33: {  	p0 =	seq.s32 s10, $0x1;
	s10 =	sld [smem:$0x3FB8];
	_ =	sdelay $0x3  }
0x34: {  	[smem:$0x3FB8] =	sst s10  }
0x35: {  	s10 =	sld [smem:$0x3FB7];
	_ =	sdelay $0x3  }
0x36: {  	p1 =	seq.s32 s10, $0x1;
	s10 =	sld [smem:$0x3FB8];
	_ =	sdelay $0x3  }
0x37: {  	[smem:$0x3FB8] =	sst s10  }
0x38: {  	s10 =	sld [smem:$0x3FB9]  }
0x39: {  	_ = 	snop;
	(pc) =	sbr.ind lr, $3  }
0x3a: {  	_ = 	snop  }
0x3b: {  	_ = 	snop  }
0x3c: {  	p2 =	seq.s32 s10, $0x1;
	s10 =	sld [smem:$0x3FB8]  }
0x3d: {  	_ =	shalt  }
0x3e: {  	_ =	shalt  }
0x3f: {  	_ =	shalt  }
0x40: {  	_ =	shalt  }
0x41: {  	_ =	shalt  }
0x42: {  	_ =	shalt  }
0x43: {  	_ =	shalt  }
0x44: {  	_ =	shalt  }
0x45: {  	_ =	shalt  }
0x46: {  	_ =	shalt  }
0x47: {  	_ =	shalt  }
0x48: {  	_ =	shalt  }
0x49: {  	_ =	shalt  }
0x4a: {  	_ =	shalt  }
0x4b: {  	_ =	shalt  }
0x4c: {  	_ =	shalt  }
0x4d: {  	_ =	shalt  }
0x4e: {  	_ =	shalt  }
0x4f: {  	_ =	shalt  }
0x50: {  	_ =	shalt  }
0x51: {  	_ =	shalt  }
0x52: {  	_ =	shalt  }
0x53: {  	_ =	shalt  }
0x54: {  	_ =	shalt  }
0x55: {  	_ =	shalt  }
0x56: {  	_ =	shalt  }
0x57: {  	_ =	shalt  }
0x58: {  	_ =	shalt  }
0x59: {  	_ =	shalt  }
0x5a: {  	_ =	shalt  }
0x5b: {  	_ =	shalt  }
0x5c: {  	_ =	shalt  }
0x5d: {  	_ =	shalt  }
0x5e: {  	_ =	shalt  }
0x5f: {  	_ =	shalt  }
0x60: {  	_ =	shalt  }
0x61: {  	_ =	shalt  }
0x62: {  	_ =	shalt  }
0x63: {  	_ =	shalt  }
0x64: {  	_ =	shalt  }
0x65: {  	_ =	shalt  }
0x66: {  	_ =	shalt  }
0x67: {  	_ =	shalt  }
0x68: {  	_ =	shalt  }
0x69: {  	_ =	shalt  }
0x6a: {  	_ =	shalt  }
0x6b: {  	_ =	shalt  }
0x6c: {  	_ =	shalt  }
0x6d: {  	_ =	shalt  }
0x6e: {  	_ =	shalt  }
0x6f: {  	_ =	shalt  }
0x70: {  	_ =	shalt  }
0x71: {  	_ =	shalt  }
0x72: {  	_ =	shalt  }
0x73: {  	_ =	shalt  }
0x74: {  	_ =	shalt  }
0x75: {  	_ =	shalt  }
0x76: {  	_ =	shalt  }
0x77: {  	_ =	shalt  }
0x78: {  	_ =	shalt  }
0x79: {  	_ =	shalt  }
0x7a: {  	_ =	shalt  }
0x7b: {  	_ =	shalt  }
0x7c: {  	_ =	shalt  }
0x7d: {  	_ =	shalt  }
0x7e: {  	_ =	shalt  }
0x7f: {  	_ =	shalt  }
0x80: {  	_ =	shalt  }
0x81: {  	_ =	shalt  }
0x82: {  	_ =	shalt  }
0x83: {  	_ =	shalt  }
0x84: {  	_ =	shalt  }
0x85: {  	_ =	shalt  }
0x86: {  	_ =	shalt  }
0x87: {  	_ =	shalt  }
.Lfunc_end0:
.L_simem_size_0:
called_computation_lowered:
.L_overlay_start_0:
0x88: {  	s2 =	sld [smem:$0x3FD9]  }
0x89: {  	s3 =	sld [smem:$0x3FFE];
	_ =	sdelay $0x1  }
0x8a: {  	s1 =	srdreg.scid  }
0x8b: {  	s0 =	sand.u32 $0x1, s1  }
0x8c: {  	s18 =	sshll.u32 s0, $0xA;
	s2 =	sadd.s32 s3, s2  }
0x8d: {  	s2 =	sadd.s32 s2, s18  }
0x8e: {  	[smem:$0x3FC4] =	sst s2  }
0x8f: {  	_ = 	snop  }
0x90: {  	s2 =	sld [smem:$0x3FC9]  }
0x91: {  	s19 =	sld [smem:$0x3FC8]  }
0x92: {  	s4 =	sld [smem:$0x3FC7]  }
0x93: {  	s5 =	sld [smem:$0x3FC6]  }
0x94: {  	s6 =	sld [smem:$0x3FD0];
	(tm) =	ssettm $0x1  }
0x95: {  	s7 =	sld [smem:$0x3FFB];
	_ =	sdelay $0x3  }
0x96: {  	_ =	strace s7  }
0x97: {  	s7 =	sld [smem:$0x3FFC];
	_ =	sdelay $0x3  }
0x98: {  	_ =	strace s7  }
0x99: {  	s7 =	sld [smem:$0x3FFD];
	_ =	sdelay $0x3  }
0x9a: {  	_ =	strace s7  }
0x9b: {  	_ =	strace $0x8FFFFFFF  }
0x9c: {  	s20 =	sld [smem:$0x3FDB];
	_ =	sdelay $0x1  }
0x9d: {  	s8 =	simm.s32 $_scs_section_size  }
0x9e: {  	s9 =	simm.s32 $_size__tile_overlayer_lowered;
	s10 =	simm.s32 $_tile_overlayer_lowered  }
0x9f: {  	s23 =	simm.s32 $0x1BFF;
	s22 =	sshll.u32 s10, $0x1;
	s7 =	sadd.s32 s8, s20  }
0xa0: {  	s11 =	simm.s32 $0x0;
	s21 =	sshll.u32 s9, $0x1;
	s9 =	sadd.s32 s22, s7  }
0xa1: {  	[timem:s11], [sflag:s23] =	dma.local [hbm:s9], s21  }
0xa2: {  	_ =	swait.ge [sflag:s23], s21  }
0xa3: {  	s8 =	ssub.s32 $0x0, s21;
	[sflag:s23] =	ssyncset.done $0x0  }
0xa4: {  	[sflag:s23] =	ssyncadd.s32 s8;
	_ =	sdelay $0x1  }
0xa5: {  	s24 =	simm.s32 $0x1B8B  }
0xa6: {  	_ =	swait.ge [sflag:s24], $0x1  }
0xa7: {  	[sflag:s24] =	ssyncset.done $0x0  }
0xa8: {  	s25 =	simm.s32 $0x1B8E;
	[sflag:s24] =	ssyncadd.s32 $0xFFFFFFFF  }
0xa9: {  	s26 =	simm.s32 $execute0_lowered;
	[smem:$0x3FD2] =	sst s25  }
0xaa: {  	s8 =	sshll.u32 s26, $0x1;
	_ =	strace $0x80000046;
	[dreg:$0x1] =	wrdreg $0xFFFFFFFF  }
0xab: {  	s28 =	simm.s32 $_size_execute0_lowered;
	s7 =	sadd.s32 s7, s8;
	[dreg:$0x0] =	wrdreg $0x0  }
0xac: {  	s8 =	sshll.u32 s28, $0x1;
	[dreg:$0x2] =	wrdreg s7  }
0xad: {  	[dreg:$0x3] =	wrdreg s8  }
0xae: {  	[dreg:$0x4] =	wrdreg $0xC0  }
0xaf: {  	_ =	task [dreg:s11], $0x5FFFF  }
0xb0: {  	[dreg:$0x1] =	wrdreg $0xFFFFFFFF  }
0xb1: {  	[dreg:$0x0] =	wrdreg $0x60  }
0xb2: {  	[dreg:$0x2] =	wrdreg s19  }
0xb3: {  	[dreg:$0x3] =	wrdreg s4  }
0xb4: {  	[dreg:$0x4] =	wrdreg s5  }
0xb5: {  	[dreg:$0x5] =	wrdreg s2  }
0xb6: {  	[dreg:$0x6] =	wrdreg s6  }
0xb7: {  	[dreg:$0x7] =	wrdreg $0x9  }
0xb8: {  	_ =	task.clear_ibuf [dreg:s11], $0x8FFFF;
	_ =	strace $0x90000046  }
0xb9: {  	s29 =	simm.s32 $0x9;
	_ =	strace $0x80000048  }
0xba: {  	_ =	swait.ge [sflag:s29], $0x1  }
0xbb: {  	[sflag:s29] =	ssyncadd.s32 $0xFFFFFFFF  }
0xbc: {  	_ =	strace $0x90000048  }
0xbd: {  	_ =	sfence  }
0xbe: {  	s30 =	sld [smem:$0x0];
	_ =	sdelay $0x2  }
0xbf: {  	s31 =	sshll.u32 s1, $0xD;
	s1 =	sshrl.u32 s1, $0x2  }
0xc0: {  	s3 =	sand.u32 $0x4000, s31;
	s1 =	sadd.s32 s1, s30  }
0xc1: {  	s0 =	sor.u32 s3, s0;
	s1 =	sshll.u32 s1, $0x11  }
0xc2: {  	s0 =	sor.u32 s1, s0  }
0xc3: {  	s0 =	sadd.s32 $0x8F2B, s0  }
0xc4: {  	[sflag:s0] =	ssyncadd.remote.s32 $0x1  }
0xc5: {  	_ =	sfence.sel $0xFFFF  }
0xc6: {  	[dreg:$0x0] =	wrdreg $0xFFFFFFFF;
	(pc) =	sbr.abs _section_cstart, $3  }
0xc7: {  	[dreg:$0x1] =	wrdreg $0xFFFFFFFF  }
0xc8: {  	_ =	task.clear_ibuf [dreg:s11], $0x2FFFF;
	_ =	strace $0x9FFFFFFF  }
0xc9: {  	(tm) =	ssettm $0x7FFFFFFF  }
tec
execute0_lowered:
.L_overlay_start_1:
0x0: {  	(tag) =	ssettag $0x1  }
0x1: {  	s0 =	rddreg [dreg:$0x0]  }
0x2: {  	s1 =	rddreg [dreg:$0x1]  }
0x3: {  	s18 =	rddreg [dreg:$0x2]  }
0x4: {  	s2 =	rddreg [dreg:$0x3]  }
0x5: {  	s19 =	rddreg [dreg:$0x4]  }
0x6: {  	s26 =	stileid.u32;
	s4 =	srdreg.scid;
	s3 =	simm.s32 $0x0  }
0x7: {  	s28 =	simm.s32 $0x1;
	s29 =	simm.s32 $0x200;
	s30 =	simm.s32 $0x18700  }
0x8: {  	s31 =	simm.s32 $0x1A700;
	s8 =	sshll.u32 s26, $0x1;
	s4 =	sand.u32 $0x1, s4  }
0x9: {  	[smem:$0x7FF] =	sst s3;
	s7 =	sshll.u32 s26, $0xF;
	s21 =	sshrl.u32 s26, $0x2  }
0xa: {  	s13 =	sadd.s32 $0x2000, s19;
	s25 =	sadd.s32 $0x12000, s19;
	p0 =	sgt.u32 s26, $0x7  }
0xb: {  	p1 =	sgt.u32 s26, $0x3;
	s26 =	simm.s32 $0x400;
	s5 =	sadd.s32 $0xFFFFFFF0, s8  }
0xc: {  	s17 =	sor.u32 s4, s8;
	_ =	strace $0x80000047;
	s4 =	ssub.s32 $0x2, s4  }
0xd: {  	s10 =	smul.u32 $0xC3800, s21;
	s8 =	sadd.s32 $0xFFFFFFF8, s8;
	s5 =	sshrl.u32 s5, $0x3  }
0xe: {  	s6 =	sshll.u32 s17, $0x7;
	s9 =	sshrl.u32 s4, $0x1;
	s8 =	sshrl.u32 s8, $0x3  }
0xf: {  	s5 =	smul.u32 $0xC3800, s5;
	s12 =	sand.u32 $0x380, s6;
	s6 =	sor.u32 s7, s6  }
0x10: {  	s24 =	ssub.s32 s4, s9;
	s7 =	sadd.s32 $0x1010, s2;
	s9 =	sshll.u32 s21, $0x11  }
0x11: {  	s14 =	smul.u32 $0xC3800, s8;
	s21 =	sadd.s32 $0x10000, s19;
	s20 =	sand.u32 $0x60380, s6  }
0x12: {  	s10 =	sor.u32 s10, s12;
	s11 =	sor.u32 s9, s12;
	s24 =	smax.u32 s24, $0x1  }
0x13: {  	s5 =	sor.u32 s12, s5;
	s20 =	sshrl.u32 s20, $0x3;
	s10 =	sshrl.u32 s10, $0x3  }
0x14: {  	s22 =	sshrl.u32 s11, $0x3;
	s11 =	sadd.s32 $0x1000, s2;
	s14 =	sor.u32 s12, s14  }
0x15: {  	s16 =	sshrl.u32 s5, $0x3;
	s5 =	sadd.s32 $0x10, s2;
	s6 =	sadd.s32 s19, s20  }
0x16: {  	s8 =	sadd.s32 s20, s13;
	s9 =	sadd.s32 s0, s10;
	s10 =	sadd.s32 s19, s22  }
0x17: {  	s12 =	sadd.s32 s22, s13;
	s23 =	sshrl.u32 s14, $0x3;
	s14 =	sadd.s32 $0x20, s2  }
0x18: {  	s15 =	sadd.s32 s20, s21;
	s22 =	sshll.u32 s17, $0x4;
	s17 =	sadd.s32 s20, s25  }
0x19: {  	s0 =	simm.s32 $0x0;
	s4 =	sadd.s32 s1, s16;
	s13 =	sadd.s32 s18, s23  }
.Ltmp0:
0x1a: {  	s16 =	sadd.s32 $0x1020, s2;
	s1 =	sadd.s32 s22, s1;
	(pc) =	sbr.rel .LBB2_1-.Ltmp0, $4  }
0x1b: {  	s23 =	sand.u32 $0x70, s22;
	s20 =	sadd.s32 s22, s21;
	s1 =	sadd.s32 $0x30E00, s1  }
0x1c: {  	[dreg:$0x7] =	wrdreg s20;
	s21 =	sadd.s32 s23, s18;
	s20 =	sadd.s32 s22, s25  }
0x1d: {  	s25 =	sadd.s32 s23, s19;
	[dreg:$0x6] =	wrdreg s1;
	s21 =	sadd.s32 $0x49500, s21  }
0x1e: {  	s22 =	sadd.s32 $0x20000, s25;
	s23 =	sadd.s32 $0x22000, s25;
	s25 =	simm.s32 $0x80  }
.LBB2_15:
0x1f: {  	[tilespmem:s1+$0xFFFFFFE0] =	vst v5  }
0x20: {  	[tilespmem:s1+$0xFFFFFFF0] =	vst v3  }
0x21: {  	[tilespmem:s1+$0x0] =	vst v0  }
0x22: {  	[tilespmem:s1+$0x10] =	vst v1  }
0x23: {  	[tilespmem:s1+$0x20] =	vst v2  }
0x24: {  	[tilespmem:s1+$0xFFFFFFC0] =	vst v4;
	s1 =	smov.u32 s23  }
.LBB2_26:
0x25: {  	s0 =	sadd.s32 $0x1, s0  }
0x26: {  	p2 =	sne.s32 s0, s24  }
.Ltmp1:
0x27: {  	_ = 	snop;
	(pc) =	sbr.rel @!p2 .LBB2_27-.Ltmp1, $4  }
0x28: {  	[hbm4b:s1+s25] =	stream.strided.scatter [tilespmem:s31], [sflag:$0x1], $0x2000, s26, s25, $0x38;
	[tilespmem:$0x1C700] =	vst v63  }
0x29: {  	_ =	swait.ge [sflag:s28], $0x2000  }
0x2a: {  	[sflag:s28] =	ssyncset.done $0x0  }
0x2b: {  	[sflag:s28] =	ssyncadd.s32 $0xFFFFE000  }
.LBB2_1:
.Ltmp2:
0x2c: {  	(pc) =	sbr.rel @p0 .LBB2_16-.Ltmp2, $1  }
0x2d: {  	_ =	sdelay $0x3  }
0x2e: {  	[tilespmem:s3], [sflag:$0x1] =	stream.strided.gather [hbm4b:s9+s25], $0x18700, s26, s25, $0x38;
	[tilespmem:$0x1C700] =	vst v63  }
0x2f: {  	_ =	swait.ge [sflag:s28], $0x18700  }
0x30: {  	[sflag:s28] =	ssyncset.done $0x0  }
0x31: {  	[sflag:s28] =	ssyncadd.s32 $0xFFFE7900  }
0x32: {  	[tilespmem:s30], [sflag:$0x1] =	stream.strided.gather [hbm4b:s2+s25], $0x2000, s29, s25, $0x38;
	[tilespmem:$0x1C700] =	vst v63  }
0x33: {  	_ =	swait.ge [sflag:s28], $0x2000  }
0x34: {  	[sflag:s28] =	ssyncset.done $0x0  }
0x35: {  	s1 =	simm.s32 $0x18740;
	[sflag:s28] =	ssyncadd.s32 $0xFFFFE000  }
0x36: {  	v0 =	vld [tilespmem:s1+$0x30]  }
0x37: {  	v1 =	vld [tilespmem:s1+$0xFFFFFFD0]  }
0x38: {  	v2 =	vld [tilespmem:s1+$0xFFFFFFE0]  }
0x39: {  	v3 =	vld [tilespmem:s1+$0xFFFFFFF0]  }
0x3a: {  	v4 =	vld [tilespmem:s1+$0x0]  }
0x3b: {  	v6 =	vld [tilespmem:s1+$0x10]  }
0x3c: {  	v7 =	vld [tilespmem:s1+$0x20]  }
0x3d: {  	v8 =	vld [tilespmem:s1+$0xFFFFFFC0]  }
0x3e: {  	v9 =	vld.idx.msk [tilespmem:v0+s3+$0x0], $0xffff  }
0x3f: {  	v10 =	vld.idx.msk [tilespmem:v1+s3+$0x0], $0xffff  }
0x40: {  	v5 =	vld.idx.msk [tilespmem:v2+s3+$0x0], $0xffff  }
0x41: {  	v3 =	vld.idx.msk [tilespmem:v3+s3+$0x0], $0xffff  }
0x42: {  	v0 =	vld.idx.msk [tilespmem:v4+s3+$0x0], $0xffff  }
0x43: {  	s1 =	simm.s32 $0x1A740;
	v1 =	vld.idx.msk [tilespmem:v6+s3+$0x0], $0xffff  }
0x44: {  	v2 =	vld.idx.msk [tilespmem:v7+s3+$0x0], $0xffff;
	[tilespmem:s1+$0x30] =	vst v9  }
0x45: {  	s18 =	simm.s32 $0x0;
	s19 =	simm.s32 $0x187C0;
	v4 =	vld.idx.msk [tilespmem:v8+s3+$0x0], $0xffff;
	[tilespmem:s1+$0xFFFFFFD0] =	vst v10  }
.LBB2_3:
0x46: {  	v6 =	vld [tilespmem:s19+$0x30];
	s18 =	sadd.s32 $0x80, s18;
	[tilespmem:s1+$0xFFFFFFE0] =	vst v5  }
0x47: {  	v5 =	vld [tilespmem:s19+$0xFFFFFFD0];
	p2 =	slt.u32 s18, $0x1F80;
	[tilespmem:s1+$0xFFFFFFF0] =	vst v3  }
0x48: {  	v3 =	vld [tilespmem:s19+$0xFFFFFFE0];
	[tilespmem:s1+$0x0] =	vst v0  }
0x49: {  	v0 =	vld [tilespmem:s19+$0xFFFFFFF0];
	[tilespmem:s1+$0x10] =	vst v1  }
0x4a: {  	v1 =	vld [tilespmem:s19+$0x0];
	[tilespmem:s1+$0x20] =	vst v2  }
0x4b: {  	v2 =	vld [tilespmem:s19+$0x10];
	[tilespmem:s1+$0xFFFFFFC0] =	vst v4  }
0x4c: {  	v4 =	vld [tilespmem:s19+$0x20]  }
0x4d: {  	v7 =	vld [tilespmem:s19+$0xFFFFFFC0]  }
0x4e: {  	v6 =	vld.idx.msk [tilespmem:v6+s3+$0x0], $0xffff  }
0x4f: {  	v8 =	vld.idx.msk [tilespmem:v5+s3+$0x0], $0xffff  }
0x50: {  	v5 =	vld.idx.msk [tilespmem:v3+s3+$0x0], $0xffff  }
.Ltmp3:
0x51: {  	v3 =	vld.idx.msk [tilespmem:v0+s3+$0x0], $0xffff;
	(pc) =	sbr.rel @p2 .LBB2_3-.Ltmp3, $4  }
0x52: {  	v0 =	vld.idx.msk [tilespmem:v1+s3+$0x0], $0xffff  }
0x53: {  	s1 =	sadd.s32 $0x80, s1;
	v1 =	vld.idx.msk [tilespmem:v2+s3+$0x0], $0xffff  }
0x54: {  	v2 =	vld.idx.msk [tilespmem:v4+s3+$0x0], $0xffff;
	[tilespmem:s1+$0x30] =	vst v6  }
0x55: {  	s19 =	sadd.s32 $0x80, s19;
	v4 =	vld.idx.msk [tilespmem:v7+s3+$0x0], $0xffff;
	[tilespmem:s1+$0xFFFFFFD0] =	vst v8  }
0x56: {  	[tilespmem:s1+$0xFFFFFFE0] =	vst v5  }
0x57: {  	[tilespmem:s1+$0xFFFFFFF0] =	vst v3  }
0x58: {  	[tilespmem:s1+$0x0] =	vst v0  }
0x59: {  	[tilespmem:s1+$0x10] =	vst v1  }
0x5a: {  	[tilespmem:s1+$0x20] =	vst v2  }
0x5b: {  	[tilespmem:s1+$0xFFFFFFC0] =	vst v4  }
0x5c: {  	[hbm4b:s10+s25] =	stream.strided.scatter [tilespmem:s31], [sflag:$0x1], $0x2000, s26, s25, $0x38;
	[tilespmem:$0x1C700] =	vst v63  }
0x5d: {  	_ =	swait.ge [sflag:s28], $0x2000  }
0x5e: {  	[sflag:s28] =	ssyncset.done $0x0  }
0x5f: {  	[sflag:s28] =	ssyncadd.s32 $0xFFFFE000  }
0x60: {  	[tilespmem:s30], [sflag:$0x1] =	stream.strided.gather [hbm4b:s11+s25], $0x2000, s29, s25, $0x38;
	[tilespmem:$0x1C700] =	vst v63  }
0x61: {  	_ =	swait.ge [sflag:s28], $0x2000  }
0x62: {  	[sflag:s28] =	ssyncset.done $0x0  }
0x63: {  	s19 =	simm.s32 $0x18740;
	[sflag:s28] =	ssyncadd.s32 $0xFFFFE000  }
0x64: {  	v0 =	vld [tilespmem:s19+$0x30]  }
0x65: {  	v1 =	vld [tilespmem:s19+$0xFFFFFFD0]  }
0x66: {  	v2 =	vld [tilespmem:s19+$0xFFFFFFE0]  }
0x67: {  	v3 =	vld [tilespmem:s19+$0xFFFFFFF0]  }
0x68: {  	v4 =	vld [tilespmem:s19+$0x0]  }
0x69: {  	v6 =	vld [tilespmem:s19+$0x10]  }
0x6a: {  	v7 =	vld [tilespmem:s19+$0x20]  }
0x6b: {  	v8 =	vld [tilespmem:s19+$0xFFFFFFC0]  }
0x6c: {  	v9 =	vld.idx.msk [tilespmem:v0+s3+$0x0], $0xffff  }
0x6d: {  	v10 =	vld.idx.msk [tilespmem:v1+s3+$0x0], $0xffff  }
0x6e: {  	v5 =	vld.idx.msk [tilespmem:v2+s3+$0x0], $0xffff  }
0x6f: {  	v3 =	vld.idx.msk [tilespmem:v3+s3+$0x0], $0xffff  }
0x70: {  	v0 =	vld.idx.msk [tilespmem:v4+s3+$0x0], $0xffff  }
0x71: {  	s1 =	simm.s32 $0x1A740;
	v1 =	vld.idx.msk [tilespmem:v6+s3+$0x0], $0xffff  }
0x72: {  	v2 =	vld.idx.msk [tilespmem:v7+s3+$0x0], $0xffff;
	[tilespmem:s1+$0x30] =	vst v9  }
0x73: {  	s18 =	simm.s32 $0x0;
	s19 =	simm.s32 $0x187C0;
	v4 =	vld.idx.msk [tilespmem:v8+s3+$0x0], $0xffff;
	[tilespmem:s1+$0xFFFFFFD0] =	vst v10  }
.LBB2_5:
0x74: {  	v6 =	vld [tilespmem:s19+$0x30];
	s18 =	sadd.s32 $0x80, s18;
	[tilespmem:s1+$0xFFFFFFE0] =	vst v5  }
0x75: {  	v5 =	vld [tilespmem:s19+$0xFFFFFFD0];
	p2 =	slt.u32 s18, $0x1F80;
	[tilespmem:s1+$0xFFFFFFF0] =	vst v3  }
0x76: {  	v3 =	vld [tilespmem:s19+$0xFFFFFFE0];
	[tilespmem:s1+$0x0] =	vst v0  }
0x77: {  	v0 =	vld [tilespmem:s19+$0xFFFFFFF0];
	[tilespmem:s1+$0x10] =	vst v1  }
0x78: {  	v1 =	vld [tilespmem:s19+$0x0];
	[tilespmem:s1+$0x20] =	vst v2  }
0x79: {  	v2 =	vld [tilespmem:s19+$0x10];
	[tilespmem:s1+$0xFFFFFFC0] =	vst v4  }
0x7a: {  	v4 =	vld [tilespmem:s19+$0x20]  }
0x7b: {  	v7 =	vld [tilespmem:s19+$0xFFFFFFC0]  }
0x7c: {  	v6 =	vld.idx.msk [tilespmem:v6+s3+$0x0], $0xffff  }
0x7d: {  	v8 =	vld.idx.msk [tilespmem:v5+s3+$0x0], $0xffff  }
0x7e: {  	v5 =	vld.idx.msk [tilespmem:v3+s3+$0x0], $0xffff  }
.Ltmp4:
0x7f: {  	v3 =	vld.idx.msk [tilespmem:v0+s3+$0x0], $0xffff;
	(pc) =	sbr.rel @p2 .LBB2_5-.Ltmp4, $4  }
0x80: {  	v0 =	vld.idx.msk [tilespmem:v1+s3+$0x0], $0xffff  }
0x81: {  	s1 =	sadd.s32 $0x80, s1;
	v1 =	vld.idx.msk [tilespmem:v2+s3+$0x0], $0xffff  }
0x82: {  	v2 =	vld.idx.msk [tilespmem:v4+s3+$0x0], $0xffff;
	[tilespmem:s1+$0x30] =	vst v6  }
0x83: {  	s19 =	sadd.s32 $0x80, s19;
	v4 =	vld.idx.msk [tilespmem:v7+s3+$0x0], $0xffff;
	[tilespmem:s1+$0xFFFFFFD0] =	vst v8  }
0x84: {  	[tilespmem:s1+$0xFFFFFFE0] =	vst v5  }
0x85: {  	[tilespmem:s1+$0xFFFFFFF0] =	vst v3  }
0x86: {  	[tilespmem:s1+$0x0] =	vst v0  }
0x87: {  	[tilespmem:s1+$0x10] =	vst v1  }
0x88: {  	[tilespmem:s1+$0x20] =	vst v2  }
.Ltmp5:
0x89: {  	[tilespmem:s1+$0xFFFFFFC0] =	vst v4;
	(pc) =	sbr.rel @p1 .LBB2_21-.Ltmp5, $4  }
0x8a: {  	[hbm4b:s12+s25] =	stream.strided.scatter [tilespmem:s31], [sflag:$0x1], $0x2000, s26, s25, $0x38;
	[tilespmem:$0x1C700] =	vst v63  }
0x8b: {  	_ =	swait.ge [sflag:s28], $0x2000  }
0x8c: {  	[sflag:s28] =	ssyncset.done $0x0  }
0x8d: {  	[sflag:s28] =	ssyncadd.s32 $0xFFFFE000  }
0x8e: {  	s1 =	rddreg [dreg:$0x6]  }
0x8f: {  	[tilespmem:s3], [sflag:$0x1] =	stream.strided.gather [hbm4b:s1+s25], $0x18700, s26, s25, $0x38;
	[tilespmem:$0x1C700] =	vst v63  }
0x90: {  	_ =	swait.ge [sflag:s28], $0x18700  }
0x91: {  	[sflag:s28] =	ssyncset.done $0x0  }
0x92: {  	[sflag:s28] =	ssyncadd.s32 $0xFFFE7900  }
0x93: {  	[tilespmem:s30], [sflag:$0x1] =	stream.strided.gather [hbm4b:s5+s25], $0x2000, s29, s25, $0x38;
	[tilespmem:$0x1C700] =	vst v63  }
0x94: {  	_ =	swait.ge [sflag:s28], $0x2000  }
0x95: {  	[sflag:s28] =	ssyncset.done $0x0  }
0x96: {  	s19 =	simm.s32 $0x18740;
	[sflag:s28] =	ssyncadd.s32 $0xFFFFE000  }
0x97: {  	v0 =	vld [tilespmem:s19+$0x30]  }
0x98: {  	v1 =	vld [tilespmem:s19+$0xFFFFFFD0]  }
0x99: {  	v2 =	vld [tilespmem:s19+$0xFFFFFFE0]  }
0x9a: {  	v3 =	vld [tilespmem:s19+$0xFFFFFFF0]  }
0x9b: {  	v4 =	vld [tilespmem:s19+$0x0]  }
0x9c: {  	v6 =	vld [tilespmem:s19+$0x10]  }
0x9d: {  	v7 =	vld [tilespmem:s19+$0x20]  }
0x9e: {  	v8 =	vld [tilespmem:s19+$0xFFFFFFC0]  }
0x9f: {  	v9 =	vld.idx.msk [tilespmem:v0+s3+$0x0], $0xffff  }
0xa0: {  	v10 =	vld.idx.msk [tilespmem:v1+s3+$0x0], $0xffff  }
0xa1: {  	v5 =	vld.idx.msk [tilespmem:v2+s3+$0x0], $0xffff  }
0xa2: {  	v3 =	vld.idx.msk [tilespmem:v3+s3+$0x0], $0xffff  }
0xa3: {  	v0 =	vld.idx.msk [tilespmem:v4+s3+$0x0], $0xffff  }
0xa4: {  	s1 =	simm.s32 $0x1A740;
	v1 =	vld.idx.msk [tilespmem:v6+s3+$0x0], $0xffff  }
0xa5: {  	v2 =	vld.idx.msk [tilespmem:v7+s3+$0x0], $0xffff;
	[tilespmem:s1+$0x30] =	vst v9  }
0xa6: {  	s18 =	simm.s32 $0x0;
	s19 =	simm.s32 $0x187C0;
	v4 =	vld.idx.msk [tilespmem:v8+s3+$0x0], $0xffff;
	[tilespmem:s1+$0xFFFFFFD0] =	vst v10  }
.LBB2_8:
0xa7: {  	v6 =	vld [tilespmem:s19+$0x30];
	s18 =	sadd.s32 $0x80, s18;
	[tilespmem:s1+$0xFFFFFFE0] =	vst v5  }
0xa8: {  	v5 =	vld [tilespmem:s19+$0xFFFFFFD0];
	p2 =	slt.u32 s18, $0x1F80;
	[tilespmem:s1+$0xFFFFFFF0] =	vst v3  }
0xa9: {  	v3 =	vld [tilespmem:s19+$0xFFFFFFE0];
	[tilespmem:s1+$0x0] =	vst v0  }
0xaa: {  	v0 =	vld [tilespmem:s19+$0xFFFFFFF0];
	[tilespmem:s1+$0x10] =	vst v1  }
0xab: {  	v1 =	vld [tilespmem:s19+$0x0];
	[tilespmem:s1+$0x20] =	vst v2  }
0xac: {  	v2 =	vld [tilespmem:s19+$0x10];
	[tilespmem:s1+$0xFFFFFFC0] =	vst v4  }
0xad: {  	v4 =	vld [tilespmem:s19+$0x20]  }
0xae: {  	v7 =	vld [tilespmem:s19+$0xFFFFFFC0]  }
0xaf: {  	v6 =	vld.idx.msk [tilespmem:v6+s3+$0x0], $0xffff  }
0xb0: {  	v8 =	vld.idx.msk [tilespmem:v5+s3+$0x0], $0xffff  }
0xb1: {  	v5 =	vld.idx.msk [tilespmem:v3+s3+$0x0], $0xffff  }
.Ltmp6:
0xb2: {  	v3 =	vld.idx.msk [tilespmem:v0+s3+$0x0], $0xffff;
	(pc) =	sbr.rel @p2 .LBB2_8-.Ltmp6, $4  }
0xb3: {  	v0 =	vld.idx.msk [tilespmem:v1+s3+$0x0], $0xffff  }
0xb4: {  	s1 =	sadd.s32 $0x80, s1;
	v1 =	vld.idx.msk [tilespmem:v2+s3+$0x0], $0xffff  }
0xb5: {  	v2 =	vld.idx.msk [tilespmem:v4+s3+$0x0], $0xffff;
	[tilespmem:s1+$0x30] =	vst v6  }
0xb6: {  	s19 =	sadd.s32 $0x80, s19;
	v4 =	vld.idx.msk [tilespmem:v7+s3+$0x0], $0xffff;
	[tilespmem:s1+$0xFFFFFFD0] =	vst v8  }
0xb7: {  	[tilespmem:s1+$0xFFFFFFE0] =	vst v5  }
0xb8: {  	[tilespmem:s1+$0xFFFFFFF0] =	vst v3  }
0xb9: {  	[tilespmem:s1+$0x0] =	vst v0  }
0xba: {  	[tilespmem:s1+$0x10] =	vst v1  }
0xbb: {  	[tilespmem:s1+$0x20] =	vst v2  }
0xbc: {  	[tilespmem:s1+$0xFFFFFFC0] =	vst v4  }
0xbd: {  	s1 =	rddreg [dreg:$0x7]  }
0xbe: {  	[hbm4b:s1+s25] =	stream.strided.scatter [tilespmem:s31], [sflag:$0x1], $0x2000, s26, s25, $0x38;
	[tilespmem:$0x1C700] =	vst v63  }
0xbf: {  	_ =	swait.ge [sflag:s28], $0x2000  }
0xc0: {  	[sflag:s28] =	ssyncset.done $0x0  }
0xc1: {  	[sflag:s28] =	ssyncadd.s32 $0xFFFFE000  }
0xc2: {  	[tilespmem:s30], [sflag:$0x1] =	stream.strided.gather [hbm4b:s7+s25], $0x2000, s29, s25, $0x38;
	[tilespmem:$0x1C700] =	vst v63  }
0xc3: {  	_ =	swait.ge [sflag:s28], $0x2000  }
0xc4: {  	[sflag:s28] =	ssyncset.done $0x0  }
0xc5: {  	s19 =	simm.s32 $0x18740;
	[sflag:s28] =	ssyncadd.s32 $0xFFFFE000  }
0xc6: {  	v0 =	vld [tilespmem:s19+$0x30]  }
0xc7: {  	v1 =	vld [tilespmem:s19+$0xFFFFFFD0]  }
0xc8: {  	v2 =	vld [tilespmem:s19+$0xFFFFFFE0]  }
0xc9: {  	v3 =	vld [tilespmem:s19+$0xFFFFFFF0]  }
0xca: {  	v4 =	vld [tilespmem:s19+$0x0]  }
0xcb: {  	v6 =	vld [tilespmem:s19+$0x10]  }
0xcc: {  	v7 =	vld [tilespmem:s19+$0x20]  }
0xcd: {  	v8 =	vld [tilespmem:s19+$0xFFFFFFC0]  }
0xce: {  	v9 =	vld.idx.msk [tilespmem:v0+s3+$0x0], $0xffff  }
0xcf: {  	v10 =	vld.idx.msk [tilespmem:v1+s3+$0x0], $0xffff  }
0xd0: {  	v5 =	vld.idx.msk [tilespmem:v2+s3+$0x0], $0xffff  }
0xd1: {  	v3 =	vld.idx.msk [tilespmem:v3+s3+$0x0], $0xffff  }
0xd2: {  	v0 =	vld.idx.msk [tilespmem:v4+s3+$0x0], $0xffff  }
0xd3: {  	s1 =	simm.s32 $0x1A740;
	v1 =	vld.idx.msk [tilespmem:v6+s3+$0x0], $0xffff  }
0xd4: {  	v2 =	vld.idx.msk [tilespmem:v7+s3+$0x0], $0xffff;
	[tilespmem:s1+$0x30] =	vst v9  }
0xd5: {  	s18 =	simm.s32 $0x0;
	s19 =	simm.s32 $0x187C0;
	v4 =	vld.idx.msk [tilespmem:v8+s3+$0x0], $0xffff;
	[tilespmem:s1+$0xFFFFFFD0] =	vst v10  }
.LBB2_10:
0xd6: {  	v6 =	vld [tilespmem:s19+$0x30];
	s18 =	sadd.s32 $0x80, s18;
	[tilespmem:s1+$0xFFFFFFE0] =	vst v5  }
0xd7: {  	v5 =	vld [tilespmem:s19+$0xFFFFFFD0];
	p2 =	slt.u32 s18, $0x1F80;
	[tilespmem:s1+$0xFFFFFFF0] =	vst v3  }
0xd8: {  	v3 =	vld [tilespmem:s19+$0xFFFFFFE0];
	[tilespmem:s1+$0x0] =	vst v0  }
0xd9: {  	v0 =	vld [tilespmem:s19+$0xFFFFFFF0];
	[tilespmem:s1+$0x10] =	vst v1  }
0xda: {  	v1 =	vld [tilespmem:s19+$0x0];
	[tilespmem:s1+$0x20] =	vst v2  }
0xdb: {  	v2 =	vld [tilespmem:s19+$0x10];
	[tilespmem:s1+$0xFFFFFFC0] =	vst v4  }
0xdc: {  	v4 =	vld [tilespmem:s19+$0x20]  }
0xdd: {  	v7 =	vld [tilespmem:s19+$0xFFFFFFC0]  }
0xde: {  	v6 =	vld.idx.msk [tilespmem:v6+s3+$0x0], $0xffff  }
0xdf: {  	v8 =	vld.idx.msk [tilespmem:v5+s3+$0x0], $0xffff  }
0xe0: {  	v5 =	vld.idx.msk [tilespmem:v3+s3+$0x0], $0xffff  }
.Ltmp7:
0xe1: {  	v3 =	vld.idx.msk [tilespmem:v0+s3+$0x0], $0xffff;
	(pc) =	sbr.rel @p2 .LBB2_10-.Ltmp7, $4  }
0xe2: {  	v0 =	vld.idx.msk [tilespmem:v1+s3+$0x0], $0xffff  }
0xe3: {  	s1 =	sadd.s32 $0x80, s1;
	v1 =	vld.idx.msk [tilespmem:v2+s3+$0x0], $0xffff  }
0xe4: {  	v2 =	vld.idx.msk [tilespmem:v4+s3+$0x0], $0xffff;
	[tilespmem:s1+$0x30] =	vst v6  }
0xe5: {  	s19 =	sadd.s32 $0x80, s19;
	v4 =	vld.idx.msk [tilespmem:v7+s3+$0x0], $0xffff;
	[tilespmem:s1+$0xFFFFFFD0] =	vst v8  }
0xe6: {  	[tilespmem:s1+$0xFFFFFFE0] =	vst v5  }
0xe7: {  	[tilespmem:s1+$0xFFFFFFF0] =	vst v3  }
0xe8: {  	[tilespmem:s1+$0x0] =	vst v0  }
0xe9: {  	[tilespmem:s1+$0x10] =	vst v1  }
0xea: {  	[tilespmem:s1+$0x20] =	vst v2  }
0xeb: {  	[tilespmem:s1+$0xFFFFFFC0] =	vst v4  }
0xec: {  	[hbm4b:s20+s25] =	stream.strided.scatter [tilespmem:s31], [sflag:$0x1], $0x2000, s26, s25, $0x38;
	[tilespmem:$0x1C700] =	vst v63  }
0xed: {  	_ =	swait.ge [sflag:s28], $0x2000  }
0xee: {  	[sflag:s28] =	ssyncset.done $0x0  }
0xef: {  	[sflag:s28] =	ssyncadd.s32 $0xFFFFE000  }
0xf0: {  	[tilespmem:s3], [sflag:$0x1] =	stream.strided.gather [hbm4b:s21+s25], $0x18700, s26, s25, $0x38;
	[tilespmem:$0x1C700] =	vst v63  }
0xf1: {  	_ =	swait.ge [sflag:s28], $0x18700  }
0xf2: {  	[sflag:s28] =	ssyncset.done $0x0  }
0xf3: {  	[sflag:s28] =	ssyncadd.s32 $0xFFFE7900  }
0xf4: {  	[tilespmem:s30], [sflag:$0x1] =	stream.strided.gather [hbm4b:s14+s25], $0x2000, s29, s25, $0x38;
	[tilespmem:$0x1C700] =	vst v63  }
0xf5: {  	_ =	swait.ge [sflag:s28], $0x2000  }
0xf6: {  	[sflag:s28] =	ssyncset.done $0x0  }
0xf7: {  	s18 =	simm.s32 $0x18740;
	[sflag:s28] =	ssyncadd.s32 $0xFFFFE000  }
0xf8: {  	v0 =	vld [tilespmem:s18+$0x30]  }
0xf9: {  	v1 =	vld [tilespmem:s18+$0xFFFFFFD0]  }
0xfa: {  	v2 =	vld [tilespmem:s18+$0xFFFFFFE0]  }
0xfb: {  	v3 =	vld [tilespmem:s18+$0xFFFFFFF0]  }
0xfc: {  	v4 =	vld [tilespmem:s18+$0x0]  }
0xfd: {  	v6 =	vld [tilespmem:s18+$0x10]  }
0xfe: {  	v7 =	vld [tilespmem:s18+$0x20]  }
0xff: {  	v8 =	vld [tilespmem:s18+$0xFFFFFFC0]  }
0x100: {  	v9 =	vld.idx.msk [tilespmem:v0+s3+$0x0], $0xffff  }
0x101: {  	v10 =	vld.idx.msk [tilespmem:v1+s3+$0x0], $0xffff  }
0x102: {  	v5 =	vld.idx.msk [tilespmem:v2+s3+$0x0], $0xffff  }
0x103: {  	v3 =	vld.idx.msk [tilespmem:v3+s3+$0x0], $0xffff  }
0x104: {  	v2 =	vld.idx.msk [tilespmem:v4+s3+$0x0], $0xffff  }
0x105: {  	s1 =	simm.s32 $0x1A740;
	v0 =	vld.idx.msk [tilespmem:v6+s3+$0x0], $0xffff  }
0x106: {  	v1 =	vld.idx.msk [tilespmem:v7+s3+$0x0], $0xffff;
	[tilespmem:s1+$0x30] =	vst v9  }
0x107: {  	s19 =	simm.s32 $0x187C0;
	s18 =	simm.s32 $0x0;
	v4 =	vld.idx.msk [tilespmem:v8+s3+$0x0], $0xffff;
	[tilespmem:s1+$0xFFFFFFD0] =	vst v10  }
.LBB2_12:
0x108: {  	v6 =	vld [tilespmem:s19+$0x30];
	s18 =	sadd.s32 $0x80, s18;
	[tilespmem:s1+$0xFFFFFFE0] =	vst v5  }
0x109: {  	v5 =	vld [tilespmem:s19+$0xFFFFFFD0];
	p2 =	slt.u32 s18, $0x1F80;
	[tilespmem:s1+$0xFFFFFFF0] =	vst v3  }
0x10a: {  	v3 =	vld [tilespmem:s19+$0xFFFFFFE0];
	[tilespmem:s1+$0x0] =	vst v2  }
0x10b: {  	v2 =	vld [tilespmem:s19+$0xFFFFFFF0];
	[tilespmem:s1+$0x10] =	vst v0  }
0x10c: {  	v0 =	vld [tilespmem:s19+$0x0];
	[tilespmem:s1+$0x20] =	vst v1  }
0x10d: {  	v1 =	vld [tilespmem:s19+$0x10];
	[tilespmem:s1+$0xFFFFFFC0] =	vst v4  }
0x10e: {  	v4 =	vld [tilespmem:s19+$0x20]  }
0x10f: {  	v7 =	vld [tilespmem:s19+$0xFFFFFFC0]  }
0x110: {  	v6 =	vld.idx.msk [tilespmem:v6+s3+$0x0], $0xffff  }
0x111: {  	v8 =	vld.idx.msk [tilespmem:v5+s3+$0x0], $0xffff  }
0x112: {  	v5 =	vld.idx.msk [tilespmem:v3+s3+$0x0], $0xffff  }
.Ltmp8:
0x113: {  	v3 =	vld.idx.msk [tilespmem:v2+s3+$0x0], $0xffff;
	(pc) =	sbr.rel @p2 .LBB2_12-.Ltmp8, $4  }
0x114: {  	v2 =	vld.idx.msk [tilespmem:v0+s3+$0x0], $0xffff  }
0x115: {  	s1 =	sadd.s32 $0x80, s1;
	v0 =	vld.idx.msk [tilespmem:v1+s3+$0x0], $0xffff  }
0x116: {  	v1 =	vld.idx.msk [tilespmem:v4+s3+$0x0], $0xffff;
	[tilespmem:s1+$0x30] =	vst v6  }
0x117: {  	s19 =	sadd.s32 $0x80, s19;
	v4 =	vld.idx.msk [tilespmem:v7+s3+$0x0], $0xffff;
	[tilespmem:s1+$0xFFFFFFD0] =	vst v8  }
0x118: {  	[tilespmem:s1+$0xFFFFFFE0] =	vst v5  }
0x119: {  	[tilespmem:s1+$0xFFFFFFF0] =	vst v3  }
0x11a: {  	[tilespmem:s1+$0x0] =	vst v2  }
0x11b: {  	[tilespmem:s1+$0x10] =	vst v0  }
0x11c: {  	[tilespmem:s1+$0x20] =	vst v1  }
0x11d: {  	[tilespmem:s1+$0xFFFFFFC0] =	vst v4  }
0x11e: {  	[hbm4b:s22+s25] =	stream.strided.scatter [tilespmem:s31], [sflag:$0x1], $0x2000, s26, s25, $0x38;
	[tilespmem:$0x1C700] =	vst v63  }
0x11f: {  	_ =	swait.ge [sflag:s28], $0x2000  }
0x120: {  	[sflag:s28] =	ssyncset.done $0x0  }
0x121: {  	[sflag:s28] =	ssyncadd.s32 $0xFFFFE000  }
0x122: {  	[tilespmem:s30], [sflag:$0x1] =	stream.strided.gather [hbm4b:s16+s25], $0x2000, s29, s25, $0x38;
	[tilespmem:$0x1C700] =	vst v63  }
0x123: {  	_ =	swait.ge [sflag:s28], $0x2000  }
0x124: {  	[sflag:s28] =	ssyncset.done $0x0  }
0x125: {  	s19 =	simm.s32 $0x18740;
	[sflag:s28] =	ssyncadd.s32 $0xFFFFE000  }
0x126: {  	v0 =	vld [tilespmem:s19+$0x30]  }
0x127: {  	v1 =	vld [tilespmem:s19+$0xFFFFFFD0]  }
0x128: {  	v2 =	vld [tilespmem:s19+$0xFFFFFFE0]  }
0x129: {  	v3 =	vld [tilespmem:s19+$0xFFFFFFF0]  }
0x12a: {  	v4 =	vld [tilespmem:s19+$0x0]  }
0x12b: {  	v6 =	vld [tilespmem:s19+$0x10]  }
0x12c: {  	v7 =	vld [tilespmem:s19+$0x20]  }
0x12d: {  	v8 =	vld [tilespmem:s19+$0xFFFFFFC0]  }
0x12e: {  	v9 =	vld.idx.msk [tilespmem:v0+s3+$0x0], $0xffff  }
0x12f: {  	v10 =	vld.idx.msk [tilespmem:v1+s3+$0x0], $0xffff  }
0x130: {  	v5 =	vld.idx.msk [tilespmem:v2+s3+$0x0], $0xffff  }
0x131: {  	v3 =	vld.idx.msk [tilespmem:v3+s3+$0x0], $0xffff  }
0x132: {  	v0 =	vld.idx.msk [tilespmem:v4+s3+$0x0], $0xffff  }
0x133: {  	s1 =	simm.s32 $0x1A740;
	v1 =	vld.idx.msk [tilespmem:v6+s3+$0x0], $0xffff  }
0x134: {  	v2 =	vld.idx.msk [tilespmem:v7+s3+$0x0], $0xffff;
	[tilespmem:s1+$0x30] =	vst v9  }
0x135: {  	s18 =	simm.s32 $0x0;
	s19 =	simm.s32 $0x187C0;
	v4 =	vld.idx.msk [tilespmem:v8+s3+$0x0], $0xffff;
	[tilespmem:s1+$0xFFFFFFD0] =	vst v10  }
.LBB2_14:
0x136: {  	v6 =	vld [tilespmem:s19+$0x30];
	s18 =	sadd.s32 $0x80, s18;
	[tilespmem:s1+$0xFFFFFFE0] =	vst v5  }
0x137: {  	v5 =	vld [tilespmem:s19+$0xFFFFFFD0];
	p2 =	slt.u32 s18, $0x1F80;
	[tilespmem:s1+$0xFFFFFFF0] =	vst v3  }
0x138: {  	v3 =	vld [tilespmem:s19+$0xFFFFFFE0];
	[tilespmem:s1+$0x0] =	vst v0  }
0x139: {  	v0 =	vld [tilespmem:s19+$0xFFFFFFF0];
	[tilespmem:s1+$0x10] =	vst v1  }
0x13a: {  	v1 =	vld [tilespmem:s19+$0x0];
	[tilespmem:s1+$0x20] =	vst v2  }
0x13b: {  	v2 =	vld [tilespmem:s19+$0x10];
	[tilespmem:s1+$0xFFFFFFC0] =	vst v4  }
0x13c: {  	v4 =	vld [tilespmem:s19+$0x20]  }
0x13d: {  	v7 =	vld [tilespmem:s19+$0xFFFFFFC0]  }
0x13e: {  	v6 =	vld.idx.msk [tilespmem:v6+s3+$0x0], $0xffff  }
0x13f: {  	v8 =	vld.idx.msk [tilespmem:v5+s3+$0x0], $0xffff  }
0x140: {  	v5 =	vld.idx.msk [tilespmem:v3+s3+$0x0], $0xffff  }
.Ltmp9:
0x141: {  	v3 =	vld.idx.msk [tilespmem:v0+s3+$0x0], $0xffff;
	(pc) =	sbr.rel @p2 .LBB2_14-.Ltmp9, $4  }
0x142: {  	v0 =	vld.idx.msk [tilespmem:v1+s3+$0x0], $0xffff  }
0x143: {  	s1 =	sadd.s32 $0x80, s1;
	v1 =	vld.idx.msk [tilespmem:v2+s3+$0x0], $0xffff  }
0x144: {  	v2 =	vld.idx.msk [tilespmem:v4+s3+$0x0], $0xffff;
	[tilespmem:s1+$0x30] =	vst v6  }
0x145: {  	s19 =	sadd.s32 $0x80, s19;
	v4 =	vld.idx.msk [tilespmem:v7+s3+$0x0], $0xffff;
	[tilespmem:s1+$0xFFFFFFD0] =	vst v8  }
.Ltmp10:
0x146: {  	_ = 	snop;
	(pc) =	sbr.rel .LBB2_15-.Ltmp10, $1  }
0x147: {  	_ =	sdelay $0x3  }
.LBB2_16:
0x148: {  	[tilespmem:s3], [sflag:$0x1] =	stream.strided.gather [hbm4b:s4+s25], $0x18700, s26, s25, $0x38;
	[tilespmem:$0x1C700] =	vst v63  }
0x149: {  	_ =	swait.ge [sflag:s28], $0x18700  }
0x14a: {  	[sflag:s28] =	ssyncset.done $0x0  }
0x14b: {  	[sflag:s28] =	ssyncadd.s32 $0xFFFE7900  }
0x14c: {  	[tilespmem:s30], [sflag:$0x1] =	stream.strided.gather [hbm4b:s5+s25], $0x2000, s29, s25, $0x38;
	[tilespmem:$0x1C700] =	vst v63  }
0x14d: {  	_ =	swait.ge [sflag:s28], $0x2000  }
0x14e: {  	[sflag:s28] =	ssyncset.done $0x0  }
0x14f: {  	s1 =	simm.s32 $0x18740;
	[sflag:s28] =	ssyncadd.s32 $0xFFFFE000  }
0x150: {  	v0 =	vld [tilespmem:s1+$0x30]  }
0x151: {  	v1 =	vld [tilespmem:s1+$0xFFFFFFD0]  }
0x152: {  	v2 =	vld [tilespmem:s1+$0xFFFFFFE0]  }
0x153: {  	v3 =	vld [tilespmem:s1+$0xFFFFFFF0]  }
0x154: {  	v4 =	vld [tilespmem:s1+$0x0]  }
0x155: {  	v6 =	vld [tilespmem:s1+$0x10]  }
0x156: {  	v7 =	vld [tilespmem:s1+$0x20]  }
0x157: {  	v8 =	vld [tilespmem:s1+$0xFFFFFFC0]  }
0x158: {  	v9 =	vld.idx.msk [tilespmem:v0+s3+$0x0], $0xffff  }
0x159: {  	v10 =	vld.idx.msk [tilespmem:v1+s3+$0x0], $0xffff  }
0x15a: {  	v5 =	vld.idx.msk [tilespmem:v2+s3+$0x0], $0xffff  }
0x15b: {  	v3 =	vld.idx.msk [tilespmem:v3+s3+$0x0], $0xffff  }
0x15c: {  	v0 =	vld.idx.msk [tilespmem:v4+s3+$0x0], $0xffff  }
0x15d: {  	s1 =	simm.s32 $0x1A740;
	v1 =	vld.idx.msk [tilespmem:v6+s3+$0x0], $0xffff  }
0x15e: {  	v2 =	vld.idx.msk [tilespmem:v7+s3+$0x0], $0xffff;
	[tilespmem:s1+$0x30] =	vst v9  }
0x15f: {  	s18 =	simm.s32 $0x0;
	s19 =	simm.s32 $0x187C0;
	v4 =	vld.idx.msk [tilespmem:v8+s3+$0x0], $0xffff;
	[tilespmem:s1+$0xFFFFFFD0] =	vst v10  }
.LBB2_17:
0x160: {  	v6 =	vld [tilespmem:s19+$0x30];
	s18 =	sadd.s32 $0x80, s18;
	[tilespmem:s1+$0xFFFFFFE0] =	vst v5  }
0x161: {  	v5 =	vld [tilespmem:s19+$0xFFFFFFD0];
	p2 =	slt.u32 s18, $0x1F80;
	[tilespmem:s1+$0xFFFFFFF0] =	vst v3  }
0x162: {  	v3 =	vld [tilespmem:s19+$0xFFFFFFE0];
	[tilespmem:s1+$0x0] =	vst v0  }
0x163: {  	v0 =	vld [tilespmem:s19+$0xFFFFFFF0];
	[tilespmem:s1+$0x10] =	vst v1  }
0x164: {  	v1 =	vld [tilespmem:s19+$0x0];
	[tilespmem:s1+$0x20] =	vst v2  }
0x165: {  	v2 =	vld [tilespmem:s19+$0x10];
	[tilespmem:s1+$0xFFFFFFC0] =	vst v4  }
0x166: {  	v4 =	vld [tilespmem:s19+$0x20]  }
0x167: {  	v7 =	vld [tilespmem:s19+$0xFFFFFFC0]  }
0x168: {  	v6 =	vld.idx.msk [tilespmem:v6+s3+$0x0], $0xffff  }
0x169: {  	v8 =	vld.idx.msk [tilespmem:v5+s3+$0x0], $0xffff  }
0x16a: {  	v5 =	vld.idx.msk [tilespmem:v3+s3+$0x0], $0xffff  }
.Ltmp11:
0x16b: {  	v3 =	vld.idx.msk [tilespmem:v0+s3+$0x0], $0xffff;
	(pc) =	sbr.rel @p2 .LBB2_17-.Ltmp11, $4  }
0x16c: {  	v0 =	vld.idx.msk [tilespmem:v1+s3+$0x0], $0xffff  }
0x16d: {  	s1 =	sadd.s32 $0x80, s1;
	v1 =	vld.idx.msk [tilespmem:v2+s3+$0x0], $0xffff  }
0x16e: {  	v2 =	vld.idx.msk [tilespmem:v4+s3+$0x0], $0xffff;
	[tilespmem:s1+$0x30] =	vst v6  }
0x16f: {  	s19 =	sadd.s32 $0x80, s19;
	v4 =	vld.idx.msk [tilespmem:v7+s3+$0x0], $0xffff;
	[tilespmem:s1+$0xFFFFFFD0] =	vst v8  }
0x170: {  	[tilespmem:s1+$0xFFFFFFE0] =	vst v5  }
0x171: {  	[tilespmem:s1+$0xFFFFFFF0] =	vst v3  }
0x172: {  	[tilespmem:s1+$0x0] =	vst v0  }
0x173: {  	[tilespmem:s1+$0x10] =	vst v1  }
0x174: {  	[tilespmem:s1+$0x20] =	vst v2  }
0x175: {  	[tilespmem:s1+$0xFFFFFFC0] =	vst v4  }
0x176: {  	[hbm4b:s6+s25] =	stream.strided.scatter [tilespmem:s31], [sflag:$0x1], $0x2000, s26, s25, $0x38;
	[tilespmem:$0x1C700] =	vst v63  }
0x177: {  	_ =	swait.ge [sflag:s28], $0x2000  }
0x178: {  	[sflag:s28] =	ssyncset.done $0x0  }
0x179: {  	[sflag:s28] =	ssyncadd.s32 $0xFFFFE000  }
0x17a: {  	[tilespmem:s30], [sflag:$0x1] =	stream.strided.gather [hbm4b:s7+s25], $0x2000, s29, s25, $0x38;
	[tilespmem:$0x1C700] =	vst v63  }
0x17b: {  	_ =	swait.ge [sflag:s28], $0x2000  }
0x17c: {  	[sflag:s28] =	ssyncset.done $0x0  }
0x17d: {  	s19 =	simm.s32 $0x18740;
	[sflag:s28] =	ssyncadd.s32 $0xFFFFE000  }
0x17e: {  	v0 =	vld [tilespmem:s19+$0x30]  }
0x17f: {  	v1 =	vld [tilespmem:s19+$0xFFFFFFD0]  }
0x180: {  	v2 =	vld [tilespmem:s19+$0xFFFFFFE0]  }
0x181: {  	v3 =	vld [tilespmem:s19+$0xFFFFFFF0]  }
0x182: {  	v4 =	vld [tilespmem:s19+$0x0]  }
0x183: {  	v6 =	vld [tilespmem:s19+$0x10]  }
0x184: {  	v7 =	vld [tilespmem:s19+$0x20]  }
0x185: {  	v8 =	vld [tilespmem:s19+$0xFFFFFFC0]  }
0x186: {  	v9 =	vld.idx.msk [tilespmem:v0+s3+$0x0], $0xffff  }
0x187: {  	v10 =	vld.idx.msk [tilespmem:v1+s3+$0x0], $0xffff  }
0x188: {  	v5 =	vld.idx.msk [tilespmem:v2+s3+$0x0], $0xffff  }
0x189: {  	v3 =	vld.idx.msk [tilespmem:v3+s3+$0x0], $0xffff  }
0x18a: {  	v0 =	vld.idx.msk [tilespmem:v4+s3+$0x0], $0xffff  }
0x18b: {  	s1 =	simm.s32 $0x1A740;
	v1 =	vld.idx.msk [tilespmem:v6+s3+$0x0], $0xffff  }
0x18c: {  	v2 =	vld.idx.msk [tilespmem:v7+s3+$0x0], $0xffff;
	[tilespmem:s1+$0x30] =	vst v9  }
0x18d: {  	s18 =	simm.s32 $0x0;
	s19 =	simm.s32 $0x187C0;
	v4 =	vld.idx.msk [tilespmem:v8+s3+$0x0], $0xffff;
	[tilespmem:s1+$0xFFFFFFD0] =	vst v10  }
.LBB2_19:
0x18e: {  	v6 =	vld [tilespmem:s19+$0x30];
	s18 =	sadd.s32 $0x80, s18;
	[tilespmem:s1+$0xFFFFFFE0] =	vst v5  }
0x18f: {  	v5 =	vld [tilespmem:s19+$0xFFFFFFD0];
	p2 =	slt.u32 s18, $0x1F80;
	[tilespmem:s1+$0xFFFFFFF0] =	vst v3  }
0x190: {  	v3 =	vld [tilespmem:s19+$0xFFFFFFE0];
	[tilespmem:s1+$0x0] =	vst v0  }
0x191: {  	v0 =	vld [tilespmem:s19+$0xFFFFFFF0];
	[tilespmem:s1+$0x10] =	vst v1  }
0x192: {  	v1 =	vld [tilespmem:s19+$0x0];
	[tilespmem:s1+$0x20] =	vst v2  }
0x193: {  	v2 =	vld [tilespmem:s19+$0x10];
	[tilespmem:s1+$0xFFFFFFC0] =	vst v4  }
0x194: {  	v4 =	vld [tilespmem:s19+$0x20]  }
0x195: {  	v7 =	vld [tilespmem:s19+$0xFFFFFFC0]  }
0x196: {  	v6 =	vld.idx.msk [tilespmem:v6+s3+$0x0], $0xffff  }
0x197: {  	v8 =	vld.idx.msk [tilespmem:v5+s3+$0x0], $0xffff  }
0x198: {  	v5 =	vld.idx.msk [tilespmem:v3+s3+$0x0], $0xffff  }
.Ltmp12:
0x199: {  	v3 =	vld.idx.msk [tilespmem:v0+s3+$0x0], $0xffff;
	(pc) =	sbr.rel @p2 .LBB2_19-.Ltmp12, $4  }
0x19a: {  	v0 =	vld.idx.msk [tilespmem:v1+s3+$0x0], $0xffff  }
0x19b: {  	s1 =	sadd.s32 $0x80, s1;
	v1 =	vld.idx.msk [tilespmem:v2+s3+$0x0], $0xffff  }
0x19c: {  	v2 =	vld.idx.msk [tilespmem:v4+s3+$0x0], $0xffff;
	[tilespmem:s1+$0x30] =	vst v6  }
0x19d: {  	s19 =	sadd.s32 $0x80, s19;
	v4 =	vld.idx.msk [tilespmem:v7+s3+$0x0], $0xffff;
	[tilespmem:s1+$0xFFFFFFD0] =	vst v8  }
0x19e: {  	[tilespmem:s1+$0xFFFFFFE0] =	vst v5  }
0x19f: {  	[tilespmem:s1+$0xFFFFFFF0] =	vst v3  }
0x1a0: {  	[tilespmem:s1+$0x0] =	vst v0  }
0x1a1: {  	[tilespmem:s1+$0x10] =	vst v1  }
0x1a2: {  	[tilespmem:s1+$0x20] =	vst v2  }
0x1a3: {  	[tilespmem:s1+$0xFFFFFFC0] =	vst v4  }
0x1a4: {  	[hbm4b:s8+s25] =	stream.strided.scatter [tilespmem:s31], [sflag:$0x1], $0x2000, s26, s25, $0x38;
	[tilespmem:$0x1C700] =	vst v63  }
0x1a5: {  	_ =	swait.ge [sflag:s28], $0x2000  }
0x1a6: {  	[sflag:s28] =	ssyncset.done $0x0  }
0x1a7: {  	[sflag:s28] =	ssyncadd.s32 $0xFFFFE000  }
.LBB2_21:
0x1a8: {  	[tilespmem:s3], [sflag:$0x1] =	stream.strided.gather [hbm4b:s13+s25], $0x18700, s26, s25, $0x38;
	[tilespmem:$0x1C700] =	vst v63  }
0x1a9: {  	_ =	swait.ge [sflag:s28], $0x18700  }
0x1aa: {  	[sflag:s28] =	ssyncset.done $0x0  }
0x1ab: {  	[sflag:s28] =	ssyncadd.s32 $0xFFFE7900  }
0x1ac: {  	[tilespmem:s30], [sflag:$0x1] =	stream.strided.gather [hbm4b:s14+s25], $0x2000, s29, s25, $0x38;
	[tilespmem:$0x1C700] =	vst v63  }
0x1ad: {  	_ =	swait.ge [sflag:s28], $0x2000  }
0x1ae: {  	[sflag:s28] =	ssyncset.done $0x0  }
0x1af: {  	s1 =	simm.s32 $0x18740;
	[sflag:s28] =	ssyncadd.s32 $0xFFFFE000  }
0x1b0: {  	v0 =	vld [tilespmem:s1+$0x30]  }
0x1b1: {  	v1 =	vld [tilespmem:s1+$0xFFFFFFD0]  }
0x1b2: {  	v2 =	vld [tilespmem:s1+$0xFFFFFFE0]  }
0x1b3: {  	v3 =	vld [tilespmem:s1+$0xFFFFFFF0]  }
0x1b4: {  	v4 =	vld [tilespmem:s1+$0x0]  }
0x1b5: {  	v6 =	vld [tilespmem:s1+$0x10]  }
0x1b6: {  	v7 =	vld [tilespmem:s1+$0x20]  }
0x1b7: {  	v8 =	vld [tilespmem:s1+$0xFFFFFFC0]  }
0x1b8: {  	v9 =	vld.idx.msk [tilespmem:v0+s3+$0x0], $0xffff  }
0x1b9: {  	v10 =	vld.idx.msk [tilespmem:v1+s3+$0x0], $0xffff  }
0x1ba: {  	v5 =	vld.idx.msk [tilespmem:v2+s3+$0x0], $0xffff  }
0x1bb: {  	v3 =	vld.idx.msk [tilespmem:v3+s3+$0x0], $0xffff  }
0x1bc: {  	v0 =	vld.idx.msk [tilespmem:v4+s3+$0x0], $0xffff  }
0x1bd: {  	s1 =	simm.s32 $0x1A740;
	v1 =	vld.idx.msk [tilespmem:v6+s3+$0x0], $0xffff  }
0x1be: {  	v2 =	vld.idx.msk [tilespmem:v7+s3+$0x0], $0xffff;
	[tilespmem:s1+$0x30] =	vst v9  }
0x1bf: {  	s18 =	simm.s32 $0x0;
	s19 =	simm.s32 $0x187C0;
	v4 =	vld.idx.msk [tilespmem:v8+s3+$0x0], $0xffff;
	[tilespmem:s1+$0xFFFFFFD0] =	vst v10  }
.LBB2_22:
0x1c0: {  	v6 =	vld [tilespmem:s19+$0x30];
	s18 =	sadd.s32 $0x80, s18;
	[tilespmem:s1+$0xFFFFFFE0] =	vst v5  }
0x1c1: {  	v5 =	vld [tilespmem:s19+$0xFFFFFFD0];
	p2 =	slt.u32 s18, $0x1F80;
	[tilespmem:s1+$0xFFFFFFF0] =	vst v3  }
0x1c2: {  	v3 =	vld [tilespmem:s19+$0xFFFFFFE0];
	[tilespmem:s1+$0x0] =	vst v0  }
0x1c3: {  	v0 =	vld [tilespmem:s19+$0xFFFFFFF0];
	[tilespmem:s1+$0x10] =	vst v1  }
0x1c4: {  	v1 =	vld [tilespmem:s19+$0x0];
	[tilespmem:s1+$0x20] =	vst v2  }
0x1c5: {  	v2 =	vld [tilespmem:s19+$0x10];
	[tilespmem:s1+$0xFFFFFFC0] =	vst v4  }
0x1c6: {  	v4 =	vld [tilespmem:s19+$0x20]  }
0x1c7: {  	v7 =	vld [tilespmem:s19+$0xFFFFFFC0]  }
0x1c8: {  	v6 =	vld.idx.msk [tilespmem:v6+s3+$0x0], $0xffff  }
0x1c9: {  	v8 =	vld.idx.msk [tilespmem:v5+s3+$0x0], $0xffff  }
0x1ca: {  	v5 =	vld.idx.msk [tilespmem:v3+s3+$0x0], $0xffff  }
.Ltmp13:
0x1cb: {  	v3 =	vld.idx.msk [tilespmem:v0+s3+$0x0], $0xffff;
	(pc) =	sbr.rel @p2 .LBB2_22-.Ltmp13, $4  }
0x1cc: {  	v0 =	vld.idx.msk [tilespmem:v1+s3+$0x0], $0xffff  }
0x1cd: {  	s1 =	sadd.s32 $0x80, s1;
	v1 =	vld.idx.msk [tilespmem:v2+s3+$0x0], $0xffff  }
0x1ce: {  	v2 =	vld.idx.msk [tilespmem:v4+s3+$0x0], $0xffff;
	[tilespmem:s1+$0x30] =	vst v6  }
0x1cf: {  	s19 =	sadd.s32 $0x80, s19;
	v4 =	vld.idx.msk [tilespmem:v7+s3+$0x0], $0xffff;
	[tilespmem:s1+$0xFFFFFFD0] =	vst v8  }
0x1d0: {  	[tilespmem:s1+$0xFFFFFFE0] =	vst v5  }
0x1d1: {  	[tilespmem:s1+$0xFFFFFFF0] =	vst v3  }
0x1d2: {  	[tilespmem:s1+$0x0] =	vst v0  }
0x1d3: {  	[tilespmem:s1+$0x10] =	vst v1  }
0x1d4: {  	[tilespmem:s1+$0x20] =	vst v2  }
0x1d5: {  	[tilespmem:s1+$0xFFFFFFC0] =	vst v4  }
0x1d6: {  	[hbm4b:s15+s25] =	stream.strided.scatter [tilespmem:s31], [sflag:$0x1], $0x2000, s26, s25, $0x38;
	[tilespmem:$0x1C700] =	vst v63  }
0x1d7: {  	_ =	swait.ge [sflag:s28], $0x2000  }
0x1d8: {  	[sflag:s28] =	ssyncset.done $0x0  }
0x1d9: {  	[sflag:s28] =	ssyncadd.s32 $0xFFFFE000  }
0x1da: {  	[tilespmem:s30], [sflag:$0x1] =	stream.strided.gather [hbm4b:s16+s25], $0x2000, s29, s25, $0x38;
	[tilespmem:$0x1C700] =	vst v63  }
0x1db: {  	_ =	swait.ge [sflag:s28], $0x2000  }
0x1dc: {  	[sflag:s28] =	ssyncset.done $0x0  }
0x1dd: {  	s19 =	simm.s32 $0x18740;
	[sflag:s28] =	ssyncadd.s32 $0xFFFFE000  }
0x1de: {  	v0 =	vld [tilespmem:s19+$0x30]  }
0x1df: {  	v1 =	vld [tilespmem:s19+$0xFFFFFFD0]  }
0x1e0: {  	v2 =	vld [tilespmem:s19+$0xFFFFFFE0]  }
0x1e1: {  	v3 =	vld [tilespmem:s19+$0xFFFFFFF0]  }
0x1e2: {  	v4 =	vld [tilespmem:s19+$0x0]  }
0x1e3: {  	v6 =	vld [tilespmem:s19+$0x10]  }
0x1e4: {  	v7 =	vld [tilespmem:s19+$0x20]  }
0x1e5: {  	v8 =	vld [tilespmem:s19+$0xFFFFFFC0]  }
0x1e6: {  	v9 =	vld.idx.msk [tilespmem:v0+s3+$0x0], $0xffff  }
0x1e7: {  	v10 =	vld.idx.msk [tilespmem:v1+s3+$0x0], $0xffff  }
0x1e8: {  	v5 =	vld.idx.msk [tilespmem:v2+s3+$0x0], $0xffff  }
0x1e9: {  	v3 =	vld.idx.msk [tilespmem:v3+s3+$0x0], $0xffff  }
0x1ea: {  	v0 =	vld.idx.msk [tilespmem:v4+s3+$0x0], $0xffff  }
0x1eb: {  	s1 =	simm.s32 $0x1A740;
	v1 =	vld.idx.msk [tilespmem:v6+s3+$0x0], $0xffff  }
0x1ec: {  	v2 =	vld.idx.msk [tilespmem:v7+s3+$0x0], $0xffff;
	[tilespmem:s1+$0x30] =	vst v9  }
0x1ed: {  	s18 =	simm.s32 $0x0;
	s19 =	simm.s32 $0x187C0;
	v4 =	vld.idx.msk [tilespmem:v8+s3+$0x0], $0xffff;
	[tilespmem:s1+$0xFFFFFFD0] =	vst v10  }
.LBB2_24:
0x1ee: {  	v6 =	vld [tilespmem:s19+$0x30];
	s18 =	sadd.s32 $0x80, s18;
	[tilespmem:s1+$0xFFFFFFE0] =	vst v5  }
0x1ef: {  	v5 =	vld [tilespmem:s19+$0xFFFFFFD0];
	p2 =	slt.u32 s18, $0x1F80;
	[tilespmem:s1+$0xFFFFFFF0] =	vst v3  }
0x1f0: {  	v3 =	vld [tilespmem:s19+$0xFFFFFFE0];
	[tilespmem:s1+$0x0] =	vst v0  }
0x1f1: {  	v0 =	vld [tilespmem:s19+$0xFFFFFFF0];
	[tilespmem:s1+$0x10] =	vst v1  }
0x1f2: {  	v1 =	vld [tilespmem:s19+$0x0];
	[tilespmem:s1+$0x20] =	vst v2  }
0x1f3: {  	v2 =	vld [tilespmem:s19+$0x10];
	[tilespmem:s1+$0xFFFFFFC0] =	vst v4  }
0x1f4: {  	v4 =	vld [tilespmem:s19+$0x20]  }
0x1f5: {  	v7 =	vld [tilespmem:s19+$0xFFFFFFC0]  }
0x1f6: {  	v6 =	vld.idx.msk [tilespmem:v6+s3+$0x0], $0xffff  }
0x1f7: {  	v8 =	vld.idx.msk [tilespmem:v5+s3+$0x0], $0xffff  }
0x1f8: {  	v5 =	vld.idx.msk [tilespmem:v3+s3+$0x0], $0xffff  }
.Ltmp14:
0x1f9: {  	v3 =	vld.idx.msk [tilespmem:v0+s3+$0x0], $0xffff;
	(pc) =	sbr.rel @p2 .LBB2_24-.Ltmp14, $4  }
0x1fa: {  	v0 =	vld.idx.msk [tilespmem:v1+s3+$0x0], $0xffff  }
0x1fb: {  	s1 =	sadd.s32 $0x80, s1;
	v1 =	vld.idx.msk [tilespmem:v2+s3+$0x0], $0xffff  }
0x1fc: {  	v2 =	vld.idx.msk [tilespmem:v4+s3+$0x0], $0xffff;
	[tilespmem:s1+$0x30] =	vst v6  }
0x1fd: {  	s19 =	sadd.s32 $0x80, s19;
	v4 =	vld.idx.msk [tilespmem:v7+s3+$0x0], $0xffff;
	[tilespmem:s1+$0xFFFFFFD0] =	vst v8  }
0x1fe: {  	[tilespmem:s1+$0xFFFFFFE0] =	vst v5  }
.Ltmp15:
0x1ff: {  	[tilespmem:s1+$0xFFFFFFF0] =	vst v3;
	(pc) =	sbr.rel .LBB2_26-.Ltmp15, $4  }
0x200: {  	[tilespmem:s1+$0x0] =	vst v0  }
0x201: {  	[tilespmem:s1+$0x10] =	vst v1  }
0x202: {  	[tilespmem:s1+$0x20] =	vst v2  }
0x203: {  	[tilespmem:s1+$0xFFFFFFC0] =	vst v4;
	s1 =	smov.u32 s17  }
.LBB2_27:
0x204: {  	_ =	sfence.sel $0x180000  }
0x205: {  	[bflag:$0x0] =	sbarrier.arrive $0xFFFF  }
0x206: {  	_ =	strace $0x90000047  }
0x207: {  	s0 =	stileid.u32;
	[bflag:$0x2] =	sbarrier.arrive $0xFFFF  }
0x208: {  	p0 =	sne.s32 s0, $0x0;
	s0 =	rddreg [dreg:$0x5]  }
0x209: {  	s0 =	sadd.s32 @!p0 $0x100000, s0  }
0x20a: {  	[sflag:s0] =	ssyncadd.tile.s32 @!p0 $0x1;
	_ =	shalt  }
.Lfunc_end2:
_tile_overlayer_lowered:
.L_overlay_start_2:
0x20b: {  	(tag) =	ssettag $0x2  }
0x20c: {  	s0 =	rddreg [dreg:$0x0];
	s2 =	stileid.u32  }
0x20d: {  	s1 =	rddreg [dreg:$0x1];
	p0 =	sne.s32 s2, $0x0  }
0x20e: {  	s3 =	rddreg [dreg:$0x2];
	[bflag:$0x3] =	sbarrier.arrive $0xFFFF;
	s2 =	simm.s32 @!p0 $0x1C01  }
0x20f: {  	[timem:s3], [sflag:s2] =	dma.local @!p0 [hbm:s0], s1  }
0x210: {  	s0 =	simm.s32 @!p0 $0x1  }
0x211: {  	_ =	swait.ge @!p0 [sflag:s0], s1  }
0x212: {  	s1 =	ssub.s32 @!p0 $0x0, s1;
	[sflag:s0] =	ssyncset.done @!p0 $0x0  }
0x213: {  	[sflag:s0] =	ssyncadd.s32 @!p0 s1  }
0x214: {  	[bflag:$0x3] =	sbarrier.arrive $0xFFFF  }
0x215: {  	_ =	shalt  }

</sc_bundles>
